<compile_context>
chip_gen: v7x
topology: tpu7x:2x2x1
jax: 0.10.2.dev20260603
libtpu: 0.0.44.dev20260713+nightly
codegen_flags: <defaults>
</compile_context>

<pallas_src>
import functools

import jax
import jax.numpy as jnp
from jax import lax
from jax.experimental import pallas as pl
from jax.experimental.pallas import tpu as pltpu
from jax.experimental.pallas import tpu_sc as plsc

N_NODES = 10000
D = 128
N_EDGES = 320000

NC = 2
NS = 16

CHUNK = 80
EPT = N_EDGES // NS
EPT_PAD = 20480
NCHUNK = EPT_PAD // CHUNK
G = 32
NGRP = NCHUNK // G
NB = 4
GA = 2
N_PAD = 10240
RPT = N_PAD // NS


def _sc_aggregate(gidx_all, sidx_all, x):
    mesh = plsc.VectorSubcoreMesh(
        core_axis_name="c", subcore_axis_name="s", num_cores=NC, num_subcores=NS
    )

    @functools.partial(
        pl.kernel,
        out_type=jax.ShapeDtypeStruct((2, N_PAD, D), jnp.float32),
        mesh=mesh,
        scratch_types=[
            pltpu.VMEM((G, CHUNK), jnp.int32),
            pltpu.VMEM((G, CHUNK), jnp.int32),
            pltpu.VMEM((NB, CHUNK, D), jnp.float32),
            pltpu.VMEM_SHARED((N_PAD, D), jnp.float32),
            [pltpu.SemaphoreType.DMA] * NB,
            [pltpu.SemaphoreType.DMA] * NB,
        ],
    )
    def agg(gidx_hbm, sidx_hbm, x_hbm, out_hbm, gidx, sidx, rows, acc, gsems, ssems):
        cid = lax.axis_index("c")
        sid = lax.axis_index("s")

        def gather(j, b):
            pltpu.async_copy(x_hbm.at[gidx.at[j]], rows.at[b], gsems[b])

        def gather_wait(j, b):
            pltpu.make_async_copy(x_hbm.at[gidx.at[j]], rows.at[b], gsems[b]).wait()

        def scatter(j, b):
            pltpu.async_copy(rows.at[b], acc.at[sidx.at[j]], ssems[b], add=True)

        def scatter_wait(j, b):
            pltpu.make_async_copy(rows.at[b], acc.at[sidx.at[j]], ssems[b]).wait()

        zv = jnp.zeros((16,), jnp.float32)

        def zfill(i, _):
            rows[0, i // (D // 16), pl.ds((i % (D // 16)) * 16, 16)] = zv
            return 0

        lax.fori_loop(0, CHUNK * (D // 16), zfill, 0)

        def zcopy(k, _):
            pltpu.sync_copy(rows.at[0], acc.at[pl.ds(sid * RPT + k * CHUNK, CHUNK)])
            return 0

        lax.fori_loop(0, RPT // CHUNK, zcopy, 0)
        plsc.subcore_barrier()

        def group(g, _):
            pltpu.sync_copy(gidx_hbm.at[cid, sid, g], gidx)
            pltpu.sync_copy(sidx_hbm.at[cid, sid, g], sidx)

            gather(0, 0)
            gather(1, 1)

            def round_(q, _):
                for b in range(NB):
                    j = q * NB + b
                    gather_wait(j, b)
                    scatter(j, b)
                    bf = (b + GA) % NB
                    if b < GA:
                        @pl.when(q > 0)
                        def _():
                            scatter_wait(j - GA, bf)

                        gather(j + GA, bf)
                    else:
                        @pl.when(q < G // NB - 1)
                        def _():
                            scatter_wait(j - GA, bf)
                            gather(j + GA, bf)
                return 0

            lax.fori_loop(0, G // NB, round_, 0)

            for b in range(NB):
                scatter_wait(G - NB + b, b)
            return 0

        lax.fori_loop(0, NGRP, group, 0)
        plsc.subcore_barrier()

        pltpu.sync_copy(
            acc.at[pl.ds(sid * RPT, RPT)],
            out_hbm.at[cid, pl.ds(sid * RPT, RPT)],
        )

    return agg(gidx_all, sidx_all, x)


RB = 2000


def _tc_combine(ab, x, wf, wb, ws, bias):
    def body(ab_ref, x_ref, wf_ref, wb_ref, ws_ref, bias_ref, o_ref):
        acc = jnp.dot(ab_ref[0], wf_ref[...], preferred_element_type=jnp.float32)
        acc = acc + jnp.dot(ab_ref[1], wb_ref[...], preferred_element_type=jnp.float32)
        acc = acc + jnp.dot(x_ref[...], ws_ref[...], preferred_element_type=jnp.float32)
        o_ref[...] = jnp.maximum(acc + bias_ref[...], 0.0)

    abspec = pl.BlockSpec((2, RB, D), lambda i: (0, i, 0))
    rspec = pl.BlockSpec((RB, D), lambda i: (i, 0))
    wspec = pl.BlockSpec((D, D), lambda i: (0, 0))
    bspec = pl.BlockSpec((1, D), lambda i: (0, 0))
    return pl.pallas_call(
        body,
        grid=(N_NODES // RB,),
        in_specs=[abspec, rspec, wspec, wspec, wspec, bspec],
        out_specs=rspec,
        out_shape=jax.ShapeDtypeStruct((N_NODES, D), jnp.float32),
    )(ab, x, wf, wb, ws, bias.reshape(1, D))


def kernel(x, edge_index, W_fwd, W_bwd, W_self, b):
    ei = edge_index.astype(jnp.int32).reshape(2, NS, EPT)
    senders, receivers = ei[0], ei[1]
    npad = EPT_PAD - EPT
    gpad_row = jnp.arange(npad, dtype=jnp.int32) * 41 % N_NODES
    gpad = jnp.broadcast_to(gpad_row, (NS, npad))
    spad_row = N_NODES + jnp.arange(npad, dtype=jnp.int32) % (N_PAD - N_NODES)
    spad = jnp.broadcast_to(spad_row, (NS, npad))
    gidx = jnp.stack([
        jnp.concatenate([senders, gpad], axis=1),
        jnp.concatenate([receivers, gpad], axis=1),
    ]).reshape(2, NS, NGRP, G, CHUNK)
    sidx = jnp.stack([
        jnp.concatenate([receivers, spad], axis=1),
        jnp.concatenate([senders, spad], axis=1),
    ]).reshape(2, NS, NGRP, G, CHUNK)
    ab = _sc_aggregate(gidx, sidx, x)
    return _tc_combine(ab, x, W_fwd, W_bwd, W_self, b)

# --- scband reference (transcript-rebuilt; emitter-appended) ---
"""Pipeline reference for scband-message-gcn-206158430367 (READ-ONLY COPY).

The authoritative reference and input builder live on the scoring server;
editing this copy changes nothing except your own understanding.
"""

import jax, jax.numpy as jnp
import numpy as np

N_NODES = 10000
N_EDGES = 320000
D_IN = 128
D_OUT = 128

def setup_inputs(seed: int = 0) -> dict:
    key = jax.random.key(seed)
    k1, k2, k3, k4, k5, k6 = jax.random.split(key, 6)
    x = jax.random.normal(k1, (N_NODES, D_IN), dtype=jnp.float32)
    edge_index = jax.random.randint(k2, (2, N_EDGES), 0, N_NODES, dtype=jnp.int64)
    # Glorot-ish scaled weights for forward, backward, and self-loop messages
    scale = 1.0 / np.sqrt(D_IN)
    W_fwd = jax.random.normal(k3, (D_IN, D_OUT), dtype=jnp.float32) * scale
    W_bwd = jax.random.normal(k4, (D_IN, D_OUT), dtype=jnp.float32) * scale
    W_self = jax.random.normal(k5, (D_IN, D_OUT), dtype=jnp.float32) * scale
    b = jax.random.normal(k6, (D_OUT,), dtype=jnp.float32) * 0.01
    return {"x": x, "edge_index": edge_index, "W_fwd": W_fwd, "W_bwd": W_bwd, "W_self": W_self, "b": b}

def reference(x, edge_index, W_fwd, W_bwd, W_self, b):
    # MessageGcn.compute_vertex_embeddings (onehot_input=False, mode='train', keep_prob=1.0):
    # 1) gather sender/receiver vertex features via embedding_lookup
    senders = edge_index[0]
    receivers = edge_index[1]
    sender_features = jnp.take(x, senders, axis=0)      # [E, D_IN]
    receiver_features = jnp.take(x, receivers, axis=0)  # [E, D_IN]
    # 2) compute_messages: per-edge linear transforms for forward/backward directions
    forward_messages = sender_features @ W_fwd          # [E, D_OUT]
    backward_messages = receiver_features @ W_bwd       # [E, D_OUT]
    # 3) compute_self_loop_messages on all vertex codes (dropout keep_prob=1.0 -> identity)
    self_loop_messages = x @ W_self                     # [N, D_OUT]
    # 4) combine_messages: scatter-add forward msgs to receivers, backward msgs to senders,
    #    add self-loop messages + bias, apply nonlinearity (use_nonlinearity=True)
    agg_fwd = jnp.zeros((N_NODES, D_OUT), dtype=x.dtype).at[receivers].add(forward_messages)
    agg_bwd = jnp.zeros((N_NODES, D_OUT), dtype=x.dtype).at[senders].add(backward_messages)
    out = agg_fwd + agg_bwd + self_loop_messages + b
    out = jax.nn.relu(out)
    return out

if __name__ == "__main__":
    import jax
    _d = setup_inputs()
    print(jax.jit(kernel)(*tuple(_d.values())))

</pallas_src>

<mosaic_0001>
#map = affine_map<(d0, d1) -> (0, 0, 0, 0, 0)>
#map1 = affine_map<(d0, d1) -> (0, 0)>
#map2 = affine_map<(d0, d1) -> (0, 0, 0)>
module attributes {stable_mosaic.version = 14 : i64} {
  func.func @agg(%arg0: i32, %arg1: i32, %arg2: memref<2x16x8x32x80xi32, #tpu.memory_space<hbm>>, %arg3: memref<2x16x8x32x80xi32, #tpu.memory_space<hbm>>, %arg4: memref<10000x128xf32, #tpu.memory_space<hbm>>, %arg5: memref<2x10240x128xf32, #tpu.memory_space<hbm>>, %arg6: memref<32x80xi32, #tpu.memory_space<vmem>>, %arg7: memref<32x80xi32, #tpu.memory_space<vmem>>, %arg8: memref<4x80x128xf32, #tpu.memory_space<vmem>>, %arg9: memref<10240x128xf32, #tpu.memory_space<vmem_shared>>, %arg10: memref<!tpu.dma_semaphore, #tpu.memory_space<semaphore_mem>>, %arg11: memref<!tpu.dma_semaphore, #tpu.memory_space<semaphore_mem>>, %arg12: memref<!tpu.dma_semaphore, #tpu.memory_space<semaphore_mem>>, %arg13: memref<!tpu.dma_semaphore, #tpu.memory_space<semaphore_mem>>, %arg14: memref<!tpu.dma_semaphore, #tpu.memory_space<semaphore_mem>>, %arg15: memref<!tpu.dma_semaphore, #tpu.memory_space<semaphore_mem>>, %arg16: memref<!tpu.dma_semaphore, #tpu.memory_space<semaphore_mem>>, %arg17: memref<!tpu.dma_semaphore, #tpu.memory_space<semaphore_mem>>) attributes {dimension_semantics = [#tpu.dimension_semantics<core_parallel>, #tpu.dimension_semantics<subcore_parallel>], iteration_bounds = array<i64: 2, 16>, scalar_prefetch = 0 : i64, scratch_operands = 12 : i64, tpu.core_type = #tpu.core_type<sc_vector_subcore>, window_params = [{transform_indices = #map}, {transform_indices = #map}, {transform_indices = #map1}, {transform_indices = #map2}]} {
    %broadcast_in_dim3A = arith.constant 0.000000e+00 : f32
    %broadcast_in_dim3A_0 = vector.broadcast %broadcast_in_dim3A : f32 to vector<16xf32>
    %scan3A = arith.constant 0 : i32
    %scan3A_1 = arith.constant 0 : i32
    %scan3A_2 = arith.constant 640 : i32
    %scan3A_3 = arith.addi %scan3A_1, %scan3A_2 : i32
    %scan3A_4 = arith.constant 1 : i32
    %scan3A_5 = scf.for %scan3A_25 = %scan3A_1 to %scan3A_3 step %scan3A_4 iter_args(%scan3A_26 = %scan3A) -> (i32)  : i32 {
      %jit3A = arith.constant 8 : i32
      %div3A = arith.divsi %scan3A_25, %jit3A : i32
      %sign3A = arith.constant 0 : i32
      %sign3A_27 = arith.cmpi sgt, %scan3A_25, %sign3A : i32
      %sign3A_28 = arith.extui %sign3A_27 : i1 to i32
      %sign3A_29 = arith.constant 0 : i32
      %sign3A_30 = arith.cmpi slt, %scan3A_25, %sign3A_29 : i32
      %sign3A_31 = arith.extui %sign3A_30 : i1 to i32
      %sign3A_32 = arith.subi %sign3A_28, %sign3A_31 : i32
      %sign3A_33 = arith.constant 0 : i32
      %sign3A_34 = arith.cmpi sgt, %jit3A, %sign3A_33 : i32
      %sign3A_35 = arith.extui %sign3A_34 : i1 to i32
      %sign3A_36 = arith.constant 0 : i32
      %sign3A_37 = arith.cmpi slt, %jit3A, %sign3A_36 : i32
      %sign3A_38 = arith.extui %sign3A_37 : i1 to i32
      %sign3A_39 = arith.subi %sign3A_35, %sign3A_38 : i32
      %ne3A = arith.cmpi ne, %sign3A_32, %sign3A_39 : i32
      %rem3A = arith.remsi %scan3A_25, %jit3A : i32
      %ne3A_40 = arith.constant 0 : i32
      %ne3A_41 = arith.cmpi ne, %rem3A, %ne3A_40 : i32
      %and3A = arith.andi %ne3A, %ne3A_41 : i1
      %sub3A = arith.constant 1 : i32
      %sub3A_42 = arith.subi %div3A, %sub3A : i32
      %select_n3A = arith.select %and3A, %sub3A_42, %div3A : i32
      %jit3A_43 = arith.constant 8 : i32
      %eq3A = arith.constant 0 : i32
      %eq3A_44 = arith.cmpi eq, %jit3A_43, %eq3A : i32
      %jit3A_45 = arith.constant 1 : i32
      %select_n3A_46 = arith.select %eq3A_44, %jit3A_45, %jit3A_43 : i32
      %rem3A_47 = arith.remsi %scan3A_25, %select_n3A_46 : i32
      %ne3A_48 = arith.constant 0 : i32
      %ne3A_49 = arith.cmpi ne, %rem3A_47, %ne3A_48 : i32
      %lt3A = arith.constant 0 : i32
      %lt3A_50 = arith.cmpi slt, %rem3A_47, %lt3A : i32
      %lt3A_51 = arith.constant 0 : i32
      %lt3A_52 = arith.cmpi slt, %select_n3A_46, %lt3A_51 : i32
      %ne3A_53 = arith.xori %lt3A_50, %lt3A_52 : i1
      %and3A_54 = arith.andi %ne3A_53, %ne3A_49 : i1
      %add3A = arith.addi %rem3A_47, %select_n3A_46 : i32
      %select_n3A_55 = arith.select %and3A_54, %add3A, %rem3A_47 : i32
      %mul3A_56 = arith.constant 16 : i32
      %mul3A_57 = arith.muli %select_n3A_55, %mul3A_56 : i32
      %swap3A = arith.constant 0 : i32
      %swap3A_58 = arith.index_cast %swap3A : i32 to index
      %swap3A_59 = arith.index_cast %select_n3A : i32 to index
      %swap3A_60 = arith.index_cast %mul3A_57 : i32 to index
      %swap3A_61 = tpu.vector_load %arg8[%swap3A_58, %swap3A_59, %swap3A_60] {strides = array<i32>} : memref<4x80x128xf32, #tpu.memory_space<vmem>>, vector<1x1x16xf32>,
      %swap3A_62 = vector.shape_cast %swap3A_61 : vector<1x1x16xf32> to vector<16xf32>
      %swap3A_63 = vector.shape_cast %broadcast_in_dim3A_0 : vector<16xf32> to vector<1x1x16xf32>
      tpu.vector_store %arg8[%swap3A_58, %swap3A_59, %swap3A_60], %swap3A_63 {strides = array<i32>} : memref<4x80x128xf32, #tpu.memory_space<vmem>>, vector<1x1x16xf32>,
      %scan3A_64 = arith.constant 0 : i32
      scf.yield %scan3A_64 : i32
    }
    %scan3A_6 = arith.constant 640 : i32
    %scan3A_7 = arith.constant 0 : i32
    %scan3A_8 = arith.constant 0 : i32
    %scan3A_9 = arith.constant 8 : i32
    %scan3A_10 = arith.addi %scan3A_8, %scan3A_9 : i32
    %scan3A_11 = arith.constant 1 : i32
    %scan3A_12 = scf.for %scan3A_25 = %scan3A_8 to %scan3A_10 step %scan3A_11 iter_args(%scan3A_26 = %scan3A_7) -> (i32)  : i32 {
      %mul3A_27 = arith.constant 640 : i32
      %mul3A_28 = arith.muli %arg1, %mul3A_27 : i32
      %mul3A_29 = arith.constant 80 : i32
      %mul3A_30 = arith.muli %scan3A_25, %mul3A_29 : i32
      %add3A = arith.addi %mul3A_28, %mul3A_30 : i32
      %run_scoped3A = arith.constant 0 : i32
      "tpu.region"() ({
        %run_scoped3A_32 = tpu.sem_alloc : memref<!tpu.dma_semaphore, #tpu.memory_space<semaphore_mem>>
        %dma_start3A = arith.constant 0 : i32
        %dma_start3A_33 = arith.constant 0 : i32
        %dma_start3A_34 = tpu.memref_slice %arg8[%run_scoped3A, %dma_start3A, %dma_start3A_33] : memref<4x80x128xf32, #tpu.memory_space<vmem>> -> memref<1x80x128xf32, #tpu.memory_space<vmem>>
        %dma_start3A_35 = tpu.memref_squeeze %dma_start3A_34 : memref<1x80x128xf32, #tpu.memory_space<vmem>> -> memref<80x128xf32, #tpu.memory_space<vmem>>
        %dma_start3A_36 = arith.constant 0 : i32
        %dma_start3A_37 = tpu.memref_slice %arg9[%add3A, %dma_start3A_36] : memref<10240x128xf32, #tpu.memory_space<vmem_shared>> -> memref<80x128xf32, #tpu.memory_space<vmem_shared>>
        %dma_start3A_38 = arith.constant 0 : i32
        %dma_start3A_39 = tpu.memref_slice %arg9[%add3A, %dma_start3A_38] : memref<10240x128xf32, #tpu.memory_space<vmem_shared>> -> memref<80x128xf32, #tpu.memory_space<vmem_shared>>
        %dma_start3A_40 = arith.constant 0 : i32
        %dma_start3A_41 = arith.constant 0 : i32
        %dma_start3A_42 = tpu.memref_slice %arg8[%run_scoped3A, %dma_start3A_40, %dma_start3A_41] : memref<4x80x128xf32, #tpu.memory_space<vmem>> -> memref<1x80x128xf32, #tpu.memory_space<vmem>>
        %dma_start3A_43 = tpu.memref_squeeze %dma_start3A_42 : memref<1x80x128xf32, #tpu.memory_space<vmem>> -> memref<80x128xf32, #tpu.memory_space<vmem>>
        tpu.enqueue_dma source(%dma_start3A_43 : memref<80x128xf32, #tpu.memory_space<vmem>>) target(%dma_start3A_39 : memref<80x128xf32, #tpu.memory_space<vmem_shared>>) target_semaphore(%run_scoped3A_32 : memref<!tpu.dma_semaphore, #tpu.memory_space<semaphore_mem>>)
        %dma_wait3A = arith.constant 0 : i32
        %dma_wait3A_44 = arith.constant 0 : i32
        %dma_wait3A_45 = tpu.memref_slice %arg8[%run_scoped3A, %dma_wait3A, %dma_wait3A_44] : memref<4x80x128xf32, #tpu.memory_space<vmem>> -> memref<1x80x128xf32, #tpu.memory_space<vmem>>
        %dma_wait3A_46 = tpu.memref_squeeze %dma_wait3A_45 : memref<1x80x128xf32, #tpu.memory_space<vmem>> -> memref<80x128xf32, #tpu.memory_space<vmem>>
        %dma_wait3A_47 = arith.constant 0 : i32
        %dma_wait3A_48 = tpu.memref_slice %arg9[%add3A, %dma_wait3A_47] : memref<10240x128xf32, #tpu.memory_space<vmem_shared>> -> memref<80x128xf32, #tpu.memory_space<vmem_shared>>
        %dma_wait3A_49 = arith.constant 0 : i32
        %dma_wait3A_50 = tpu.memref_slice %arg9[%add3A, %dma_wait3A_49] : memref<10240x128xf32, #tpu.memory_space<vmem_shared>> -> memref<80x128xf32, #tpu.memory_space<vmem_shared>>
        %dma_wait3A_51 = arith.constant 0 : i32
        %dma_wait3A_52 = arith.constant 0 : i32
        %dma_wait3A_53 = tpu.memref_slice %arg8[%run_scoped3A, %dma_wait3A_51, %dma_wait3A_52] : memref<4x80x128xf32, #tpu.memory_space<vmem>> -> memref<1x80x128xf32, #tpu.memory_space<vmem>>
        %dma_wait3A_54 = tpu.memref_squeeze %dma_wait3A_53 : memref<1x80x128xf32, #tpu.memory_space<vmem>> -> memref<80x128xf32, #tpu.memory_space<vmem>>
        tpu.wait_dma2 semaphore(%run_scoped3A_32 : memref<!tpu.dma_semaphore, #tpu.memory_space<semaphore_mem>>) src(%dma_wait3A_54 : memref<80x128xf32, #tpu.memory_space<vmem>>) dst(%dma_wait3A_50 : memref<80x128xf32, #tpu.memory_space<vmem_shared>>)
        tpu.yield
      }) : () -> ()
      %scan3A_31 = arith.constant 0 : i32
      scf.yield %scan3A_31 : i32
    }
    %scan3A_13 = arith.constant 8 : i32
    %barrier3A = arith.constant 0 : index
    tpu.barrier barrier_id(%barrier3A)
    %scan3A_14 = arith.constant 0 : i32
    %scan3A_15 = arith.constant 0 : i32
    %scan3A_16 = arith.constant 8 : i32
    %scan3A_17 = arith.addi %scan3A_15, %scan3A_16 : i32
    %scan3A_18 = arith.constant 1 : i32
    %scan3A_19 = scf.for %scan3A_25 = %scan3A_15 to %scan3A_17 step %scan3A_18 iter_args(%scan3A_26 = %scan3A_14) -> (i32)  : i32 {
      "tpu.region"() ({
        %run_scoped3A = tpu.sem_alloc : memref<!tpu.dma_semaphore, #tpu.memory_space<semaphore_mem>>
        %dma_start3A_105 = arith.constant 0 : i32
        %dma_start3A_106 = arith.constant 0 : i32
        %dma_start3A_107 = tpu.memref_slice %arg2[%arg0, %arg1, %scan3A_25, %dma_start3A_105, %dma_start3A_106] : memref<2x16x8x32x80xi32, #tpu.memory_space<hbm>> -> memref<1x1x1x32x80xi32, #tpu.memory_space<hbm>>
        %dma_start3A_108 = tpu.memref_squeeze %dma_start3A_107 : memref<1x1x1x32x80xi32, #tpu.memory_space<hbm>> -> memref<32x80xi32, #tpu.memory_space<hbm>>
        %dma_start3A_109 = arith.constant 0 : i32
        %dma_start3A_110 = arith.constant 0 : i32
        %dma_start3A_111 = tpu.memref_slice %arg2[%arg0, %arg1, %scan3A_25, %dma_start3A_109, %dma_start3A_110] : memref<2x16x8x32x80xi32, #tpu.memory_space<hbm>> -> memref<1x1x1x32x80xi32, #tpu.memory_space<hbm>>
        %dma_start3A_112 = tpu.memref_squeeze %dma_start3A_111 : memref<1x1x1x32x80xi32, #tpu.memory_space<hbm>> -> memref<32x80xi32, #tpu.memory_space<hbm>>
        tpu.enqueue_dma source(%dma_start3A_112 : memref<32x80xi32, #tpu.memory_space<hbm>>) target(%arg6 : memref<32x80xi32, #tpu.memory_space<vmem>>) target_semaphore(%run_scoped3A : memref<!tpu.dma_semaphore, #tpu.memory_space<semaphore_mem>>)
        %dma_wait3A_113 = arith.constant 0 : i32
        %dma_wait3A_114 = arith.constant 0 : i32
        %dma_wait3A_115 = tpu.memref_slice %arg2[%arg0, %arg1, %scan3A_25, %dma_wait3A_113, %dma_wait3A_114] : memref<2x16x8x32x80xi32, #tpu.memory_space<hbm>> -> memref<1x1x1x32x80xi32, #tpu.memory_space<hbm>>
        %dma_wait3A_116 = tpu.memref_squeeze %dma_wait3A_115 : memref<1x1x1x32x80xi32, #tpu.memory_space<hbm>> -> memref<32x80xi32, #tpu.memory_space<hbm>>
        %dma_wait3A_117 = arith.constant 0 : i32
        %dma_wait3A_118 = arith.constant 0 : i32
        %dma_wait3A_119 = tpu.memref_slice %arg2[%arg0, %arg1, %scan3A_25, %dma_wait3A_117, %dma_wait3A_118] : memref<2x16x8x32x80xi32, #tpu.memory_space<hbm>> -> memref<1x1x1x32x80xi32, #tpu.memory_space<hbm>>
        %dma_wait3A_120 = tpu.memref_squeeze %dma_wait3A_119 : memref<1x1x1x32x80xi32, #tpu.memory_space<hbm>> -> memref<32x80xi32, #tpu.memory_space<hbm>>
        tpu.wait_dma2 semaphore(%run_scoped3A : memref<!tpu.dma_semaphore, #tpu.memory_space<semaphore_mem>>) src(%dma_wait3A_120 : memref<32x80xi32, #tpu.memory_space<hbm>>) dst(%arg6 : memref<32x80xi32, #tpu.memory_space<vmem>>)
        tpu.yield
      }) : () -> ()
      "tpu.region"() ({
        %run_scoped3A = tpu.sem_alloc : memref<!tpu.dma_semaphore, #tpu.memory_space<semaphore_mem>>
        %dma_start3A_105 = arith.constant 0 : i32
        %dma_start3A_106 = arith.constant 0 : i32
        %dma_start3A_107 = tpu.memref_slice %arg3[%arg0, %arg1, %scan3A_25, %dma_start3A_105, %dma_start3A_106] : memref<2x16x8x32x80xi32, #tpu.memory_space<hbm>> -> memref<1x1x1x32x80xi32, #tpu.memory_space<hbm>>
        %dma_start3A_108 = tpu.memref_squeeze %dma_start3A_107 : memref<1x1x1x32x80xi32, #tpu.memory_space<hbm>> -> memref<32x80xi32, #tpu.memory_space<hbm>>
        %dma_start3A_109 = arith.constant 0 : i32
        %dma_start3A_110 = arith.constant 0 : i32
        %dma_start3A_111 = tpu.memref_slice %arg3[%arg0, %arg1, %scan3A_25, %dma_start3A_109, %dma_start3A_110] : memref<2x16x8x32x80xi32, #tpu.memory_space<hbm>> -> memref<1x1x1x32x80xi32, #tpu.memory_space<hbm>>
        %dma_start3A_112 = tpu.memref_squeeze %dma_start3A_111 : memref<1x1x1x32x80xi32, #tpu.memory_space<hbm>> -> memref<32x80xi32, #tpu.memory_space<hbm>>
        tpu.enqueue_dma source(%dma_start3A_112 : memref<32x80xi32, #tpu.memory_space<hbm>>) target(%arg7 : memref<32x80xi32, #tpu.memory_space<vmem>>) target_semaphore(%run_scoped3A : memref<!tpu.dma_semaphore, #tpu.memory_space<semaphore_mem>>)
        %dma_wait3A_113 = arith.constant 0 : i32
        %dma_wait3A_114 = arith.constant 0 : i32
        %dma_wait3A_115 = tpu.memref_slice %arg3[%arg0, %arg1, %scan3A_25, %dma_wait3A_113, %dma_wait3A_114] : memref<2x16x8x32x80xi32, #tpu.memory_space<hbm>> -> memref<1x1x1x32x80xi32, #tpu.memory_space<hbm>>
        %dma_wait3A_116 = tpu.memref_squeeze %dma_wait3A_115 : memref<1x1x1x32x80xi32, #tpu.memory_space<hbm>> -> memref<32x80xi32, #tpu.memory_space<hbm>>
        %dma_wait3A_117 = arith.constant 0 : i32
        %dma_wait3A_118 = arith.constant 0 : i32
        %dma_wait3A_119 = tpu.memref_slice %arg3[%arg0, %arg1, %scan3A_25, %dma_wait3A_117, %dma_wait3A_118] : memref<2x16x8x32x80xi32, #tpu.memory_space<hbm>> -> memref<1x1x1x32x80xi32, #tpu.memory_space<hbm>>
        %dma_wait3A_120 = tpu.memref_squeeze %dma_wait3A_119 : memref<1x1x1x32x80xi32, #tpu.memory_space<hbm>> -> memref<32x80xi32, #tpu.memory_space<hbm>>
        tpu.wait_dma2 semaphore(%run_scoped3A : memref<!tpu.dma_semaphore, #tpu.memory_space<semaphore_mem>>) src(%dma_wait3A_120 : memref<32x80xi32, #tpu.memory_space<hbm>>) dst(%arg7 : memref<32x80xi32, #tpu.memory_space<vmem>>)
        tpu.yield
      }) : () -> ()
      %dma_start3A = arith.constant 0 : i32
      %dma_start3A_27 = arith.constant 0 : i32
      %dma_start3A_28 = arith.constant 0 : i32
      %dma_start3A_29 = arith.constant 0 : i32
      %dma_start3A_30 = tpu.memref_slice %arg8[%dma_start3A_27, %dma_start3A_28, %dma_start3A_29] : memref<4x80x128xf32, #tpu.memory_space<vmem>> -> memref<1x80x128xf32, #tpu.memory_space<vmem>>
      %dma_start3A_31 = tpu.memref_squeeze %dma_start3A_30 : memref<1x80x128xf32, #tpu.memory_space<vmem>> -> memref<80x128xf32, #tpu.memory_space<vmem>>
      %dma_start3A_32 = arith.constant 0 : i32
      %dma_start3A_33 = tpu.memref_slice %arg6[%dma_start3A, %dma_start3A_32] : memref<32x80xi32, #tpu.memory_space<vmem>> -> memref<1x80xi32, #tpu.memory_space<vmem>>
      %dma_start3A_34 = tpu.memref_squeeze %dma_start3A_33 : memref<1x80xi32, #tpu.memory_space<vmem>> -> memref<80xi32, #tpu.memory_space<vmem>>
      %dma_start3A_35 = arith.constant 0 : i32
      %dma_start3A_36 = arith.constant 0 : i32
      %dma_start3A_37 = tpu.memref_slice %arg4[%dma_start3A_35, %dma_start3A_36] : memref<10000x128xf32, #tpu.memory_space<hbm>> -> memref<10000x128xf32, #tpu.memory_space<hbm>>
      tpu.enqueue_indirect_dma source(%dma_start3A_37 : memref<10000x128xf32, #tpu.memory_space<hbm>>) target(%dma_start3A_31 : memref<80x128xf32, #tpu.memory_space<vmem>>) offsets(%dma_start3A_34 : memref<80xi32, #tpu.memory_space<vmem>>) semaphore(%arg10 : memref<!tpu.dma_semaphore, #tpu.memory_space<semaphore_mem>>)
      %dma_start3A_38 = arith.constant 1 : i32
      %dma_start3A_39 = arith.constant 1 : i32
      %dma_start3A_40 = arith.constant 0 : i32
      %dma_start3A_41 = arith.constant 0 : i32
      %dma_start3A_42 = tpu.memref_slice %arg8[%dma_start3A_39, %dma_start3A_40, %dma_start3A_41] : memref<4x80x128xf32, #tpu.memory_space<vmem>> -> memref<1x80x128xf32, #tpu.memory_space<vmem>>
      %dma_start3A_43 = tpu.memref_squeeze %dma_start3A_42 : memref<1x80x128xf32, #tpu.memory_space<vmem>> -> memref<80x128xf32, #tpu.memory_space<vmem>>
      %dma_start3A_44 = arith.constant 0 : i32
      %dma_start3A_45 = tpu.memref_slice %arg6[%dma_start3A_38, %dma_start3A_44] : memref<32x80xi32, #tpu.memory_space<vmem>> -> memref<1x80xi32, #tpu.memory_space<vmem>>
      %dma_start3A_46 = tpu.memref_squeeze %dma_start3A_45 : memref<1x80xi32, #tpu.memory_space<vmem>> -> memref<80xi32, #tpu.memory_space<vmem>>
      %dma_start3A_47 = arith.constant 0 : i32
      %dma_start3A_48 = arith.constant 0 : i32
      %dma_start3A_49 = tpu.memref_slice %arg4[%dma_start3A_47, %dma_start3A_48] : memref<10000x128xf32, #tpu.memory_space<hbm>> -> memref<10000x128xf32, #tpu.memory_space<hbm>>
      tpu.enqueue_indirect_dma source(%dma_start3A_49 : memref<10000x128xf32, #tpu.memory_space<hbm>>) target(%dma_start3A_43 : memref<80x128xf32, #tpu.memory_space<vmem>>) offsets(%dma_start3A_46 : memref<80xi32, #tpu.memory_space<vmem>>) semaphore(%arg11 : memref<!tpu.dma_semaphore, #tpu.memory_space<semaphore_mem>>)
      %scan3A_50 = arith.constant 0 : i32
      %scan3A_51 = arith.constant 0 : i32
      %scan3A_52 = arith.constant 8 : i32
      %scan3A_53 = arith.addi %scan3A_51, %scan3A_52 : i32
      %scan3A_54 = arith.constant 1 : i32
      %scan3A_55 = scf.for %scan3A_105 = %scan3A_51 to %scan3A_53 step %scan3A_54 iter_args(%scan3A_106 = %scan3A_50) -> (i32)  : i32 {
        %mul3A_107 = arith.constant 4 : i32
        %mul3A_108 = arith.muli %scan3A_105, %mul3A_107 : i32
        %add3A = arith.constant 0 : i32
        %add3A_109 = arith.addi %mul3A_108, %add3A : i32
        %dma_wait3A_110 = arith.constant 0 : i32
        %dma_wait3A_111 = arith.constant 0 : i32
        %dma_wait3A_112 = arith.constant 0 : i32
        %dma_wait3A_113 = tpu.memref_slice %arg8[%dma_wait3A_110, %dma_wait3A_111, %dma_wait3A_112] : memref<4x80x128xf32, #tpu.memory_space<vmem>> -> memref<1x80x128xf32, #tpu.memory_space<vmem>>
        %dma_wait3A_114 = tpu.memref_squeeze %dma_wait3A_113 : memref<1x80x128xf32, #tpu.memory_space<vmem>> -> memref<80x128xf32, #tpu.memory_space<vmem>>
        %dma_wait3A_115 = arith.constant 0 : i32
        %dma_wait3A_116 = tpu.memref_slice %arg6[%add3A_109, %dma_wait3A_115] : memref<32x80xi32, #tpu.memory_space<vmem>> -> memref<1x80xi32, #tpu.memory_space<vmem>>
        %dma_wait3A_117 = tpu.memref_squeeze %dma_wait3A_116 : memref<1x80xi32, #tpu.memory_space<vmem>> -> memref<80xi32, #tpu.memory_space<vmem>>
        %dma_wait3A_118 = arith.constant 0 : i32
        %dma_wait3A_119 = arith.constant 0 : i32
        %dma_wait3A_120 = tpu.memref_slice %arg4[%dma_wait3A_118, %dma_wait3A_119] : memref<10000x128xf32, #tpu.memory_space<hbm>> -> memref<10000x128xf32, #tpu.memory_space<hbm>>
        tpu.wait_indirect_dma semaphore(%arg10 : memref<!tpu.dma_semaphore, #tpu.memory_space<semaphore_mem>>) src(%dma_wait3A_120 : memref<10000x128xf32, #tpu.memory_space<hbm>>) dst(%dma_wait3A_114 : memref<80x128xf32, #tpu.memory_space<vmem>>)
        %dma_start3A_121 = arith.constant 0 : i32
        %dma_start3A_122 = arith.constant 0 : i32
        %dma_start3A_123 = arith.constant 0 : i32
        %dma_start3A_124 = tpu.memref_slice %arg8[%dma_start3A_121, %dma_start3A_122, %dma_start3A_123] : memref<4x80x128xf32, #tpu.memory_space<vmem>> -> memref<1x80x128xf32, #tpu.memory_space<vmem>>
        %dma_start3A_125 = tpu.memref_squeeze %dma_start3A_124 : memref<1x80x128xf32, #tpu.memory_space<vmem>> -> memref<80x128xf32, #tpu.memory_space<vmem>>
        %dma_start3A_126 = arith.constant 0 : i32
        %dma_start3A_127 = tpu.memref_slice %arg7[%add3A_109, %dma_start3A_126] : memref<32x80xi32, #tpu.memory_space<vmem>> -> memref<1x80xi32, #tpu.memory_space<vmem>>
        %dma_start3A_128 = tpu.memref_squeeze %dma_start3A_127 : memref<1x80xi32, #tpu.memory_space<vmem>> -> memref<80xi32, #tpu.memory_space<vmem>>
        %dma_start3A_129 = arith.constant 0 : i32
        %dma_start3A_130 = arith.constant 0 : i32
        %dma_start3A_131 = tpu.memref_slice %arg9[%dma_start3A_129, %dma_start3A_130] : memref<10240x128xf32, #tpu.memory_space<vmem_shared>> -> memref<10240x128xf32, #tpu.memory_space<vmem_shared>>
        tpu.enqueue_indirect_dma source(%dma_start3A_125 : memref<80x128xf32, #tpu.memory_space<vmem>>) target(%dma_start3A_131 : memref<10240x128xf32, #tpu.memory_space<vmem_shared>>) offsets(%dma_start3A_128 : memref<80xi32, #tpu.memory_space<vmem>>) semaphore(%arg14 : memref<!tpu.dma_semaphore, #tpu.memory_space<semaphore_mem>>) {add = true}
        %gt3A = arith.constant 0 : i32
        %gt3A_132 = arith.cmpi sgt, %scan3A_105, %gt3A : i32
        %convert_element_type3A = arith.extui %gt3A_132 : i1 to i32
        %cond3A = arith.constant 0 : i32
        %cond3A_133 = arith.cmpi ne, %convert_element_type3A, %cond3A : i32
        scf.if %cond3A_133 {
          %sub3A = arith.constant 2 : i32
          %sub3A_253 = arith.subi %add3A_109, %sub3A : i32
          %dma_wait3A_254 = arith.constant 2 : i32
          %dma_wait3A_255 = arith.constant 0 : i32
          %dma_wait3A_256 = arith.constant 0 : i32
          %dma_wait3A_257 = tpu.memref_slice %arg8[%dma_wait3A_254, %dma_wait3A_255, %dma_wait3A_256] : memref<4x80x128xf32, #tpu.memory_space<vmem>> -> memref<1x80x128xf32, #tpu.memory_space<vmem>>
          %dma_wait3A_258 = tpu.memref_squeeze %dma_wait3A_257 : memref<1x80x128xf32, #tpu.memory_space<vmem>> -> memref<80x128xf32, #tpu.memory_space<vmem>>
          %dma_wait3A_259 = arith.constant 0 : i32
          %dma_wait3A_260 = tpu.memref_slice %arg7[%sub3A_253, %dma_wait3A_259] : memref<32x80xi32, #tpu.memory_space<vmem>> -> memref<1x80xi32, #tpu.memory_space<vmem>>
          %dma_wait3A_261 = tpu.memref_squeeze %dma_wait3A_260 : memref<1x80xi32, #tpu.memory_space<vmem>> -> memref<80xi32, #tpu.memory_space<vmem>>
          %dma_wait3A_262 = arith.constant 0 : i32
          %dma_wait3A_263 = arith.constant 0 : i32
          %dma_wait3A_264 = tpu.memref_slice %arg9[%dma_wait3A_262, %dma_wait3A_263] : memref<10240x128xf32, #tpu.memory_space<vmem_shared>> -> memref<10240x128xf32, #tpu.memory_space<vmem_shared>>
          tpu.wait_indirect_dma semaphore(%arg16 : memref<!tpu.dma_semaphore, #tpu.memory_space<semaphore_mem>>) src(%dma_wait3A_258 : memref<80x128xf32, #tpu.memory_space<vmem>>) dst(%dma_wait3A_264 : memref<10240x128xf32, #tpu.memory_space<vmem_shared>>)
        } else {
        }
        %add3A_134 = arith.constant 2 : i32
        %add3A_135 = arith.addi %add3A_109, %add3A_134 : i32
        %dma_start3A_136 = arith.constant 2 : i32
        %dma_start3A_137 = arith.constant 0 : i32
        %dma_start3A_138 = arith.constant 0 : i32
        %dma_start3A_139 = tpu.memref_slice %arg8[%dma_start3A_136, %dma_start3A_137, %dma_start3A_138] : memref<4x80x128xf32, #tpu.memory_space<vmem>> -> memref<1x80x128xf32, #tpu.memory_space<vmem>>
        %dma_start3A_140 = tpu.memref_squeeze %dma_start3A_139 : memref<1x80x128xf32, #tpu.memory_space<vmem>> -> memref<80x128xf32, #tpu.memory_space<vmem>>
        %dma_start3A_141 = arith.constant 0 : i32
        %dma_start3A_142 = tpu.memref_slice %arg6[%add3A_135, %dma_start3A_141] : memref<32x80xi32, #tpu.memory_space<vmem>> -> memref<1x80xi32, #tpu.memory_space<vmem>>
        %dma_start3A_143 = tpu.memref_squeeze %dma_start3A_142 : memref<1x80xi32, #tpu.memory_space<vmem>> -> memref<80xi32, #tpu.memory_space<vmem>>
        %dma_start3A_144 = arith.constant 0 : i32
        %dma_start3A_145 = arith.constant 0 : i32
        %dma_start3A_146 = tpu.memref_slice %arg4[%dma_start3A_144, %dma_start3A_145] : memref<10000x128xf32, #tpu.memory_space<hbm>> -> memref<10000x128xf32, #tpu.memory_space<hbm>>
        tpu.enqueue_indirect_dma source(%dma_start3A_146 : memref<10000x128xf32, #tpu.memory_space<hbm>>) target(%dma_start3A_140 : memref<80x128xf32, #tpu.memory_space<vmem>>) offsets(%dma_start3A_143 : memref<80xi32, #tpu.memory_space<vmem>>) semaphore(%arg12 : memref<!tpu.dma_semaphore, #tpu.memory_space<semaphore_mem>>)
        %mul3A_147 = arith.constant 4 : i32
        %mul3A_148 = arith.muli %scan3A_105, %mul3A_147 : i32
        %add3A_149 = arith.constant 1 : i32
        %add3A_150 = arith.addi %mul3A_148, %add3A_149 : i32
        %dma_wait3A_151 = arith.constant 1 : i32
        %dma_wait3A_152 = arith.constant 0 : i32
        %dma_wait3A_153 = arith.constant 0 : i32
        %dma_wait3A_154 = tpu.memref_slice %arg8[%dma_wait3A_151, %dma_wait3A_152, %dma_wait3A_153] : memref<4x80x128xf32, #tpu.memory_space<vmem>> -> memref<1x80x128xf32, #tpu.memory_space<vmem>>
        %dma_wait3A_155 = tpu.memref_squeeze %dma_wait3A_154 : memref<1x80x128xf32, #tpu.memory_space<vmem>> -> memref<80x128xf32, #tpu.memory_space<vmem>>
        %dma_wait3A_156 = arith.constant 0 : i32
        %dma_wait3A_157 = tpu.memref_slice %arg6[%add3A_150, %dma_wait3A_156] : memref<32x80xi32, #tpu.memory_space<vmem>> -> memref<1x80xi32, #tpu.memory_space<vmem>>
        %dma_wait3A_158 = tpu.memref_squeeze %dma_wait3A_157 : memref<1x80xi32, #tpu.memory_space<vmem>> -> memref<80xi32, #tpu.memory_space<vmem>>
        %dma_wait3A_159 = arith.constant 0 : i32
        %dma_wait3A_160 = arith.constant 0 : i32
        %dma_wait3A_161 = tpu.memref_slice %arg4[%dma_wait3A_159, %dma_wait3A_160] : memref<10000x128xf32, #tpu.memory_space<hbm>> -> memref<10000x128xf32, #tpu.memory_space<hbm>>
        tpu.wait_indirect_dma semaphore(%arg11 : memref<!tpu.dma_semaphore, #tpu.memory_space<semaphore_mem>>) src(%dma_wait3A_161 : memref<10000x128xf32, #tpu.memory_space<hbm>>) dst(%dma_wait3A_155 : memref<80x128xf32, #tpu.memory_space<vmem>>)
        %dma_start3A_162 = arith.constant 1 : i32
        %dma_start3A_163 = arith.constant 0 : i32
        %dma_start3A_164 = arith.constant 0 : i32
        %dma_start3A_165 = tpu.memref_slice %arg8[%dma_start3A_162, %dma_start3A_163, %dma_start3A_164] : memref<4x80x128xf32, #tpu.memory_space<vmem>> -> memref<1x80x128xf32, #tpu.memory_space<vmem>>
        %dma_start3A_166 = tpu.memref_squeeze %dma_start3A_165 : memref<1x80x128xf32, #tpu.memory_space<vmem>> -> memref<80x128xf32, #tpu.memory_space<vmem>>
        %dma_start3A_167 = arith.constant 0 : i32
        %dma_start3A_168 = tpu.memref_slice %arg7[%add3A_150, %dma_start3A_167] : memref<32x80xi32, #tpu.memory_space<vmem>> -> memref<1x80xi32, #tpu.memory_space<vmem>>
        %dma_start3A_169 = tpu.memref_squeeze %dma_start3A_168 : memref<1x80xi32, #tpu.memory_space<vmem>> -> memref<80xi32, #tpu.memory_space<vmem>>
        %dma_start3A_170 = arith.constant 0 : i32
        %dma_start3A_171 = arith.constant 0 : i32
        %dma_start3A_172 = tpu.memref_slice %arg9[%dma_start3A_170, %dma_start3A_171] : memref<10240x128xf32, #tpu.memory_space<vmem_shared>> -> memref<10240x128xf32, #tpu.memory_space<vmem_shared>>
        tpu.enqueue_indirect_dma source(%dma_start3A_166 : memref<80x128xf32, #tpu.memory_space<vmem>>) target(%dma_start3A_172 : memref<10240x128xf32, #tpu.memory_space<vmem_shared>>) offsets(%dma_start3A_169 : memref<80xi32, #tpu.memory_space<vmem>>) semaphore(%arg15 : memref<!tpu.dma_semaphore, #tpu.memory_space<semaphore_mem>>) {add = true}
        %gt3A_173 = arith.constant 0 : i32
        %gt3A_174 = arith.cmpi sgt, %scan3A_105, %gt3A_173 : i32
        %convert_element_type3A_175 = arith.extui %gt3A_174 : i1 to i32
        %cond3A_176 = arith.constant 0 : i32
        %cond3A_177 = arith.cmpi ne, %convert_element_type3A_175, %cond3A_176 : i32
        scf.if %cond3A_177 {
          %sub3A = arith.constant 2 : i32
          %sub3A_253 = arith.subi %add3A_150, %sub3A : i32
          %dma_wait3A_254 = arith.constant 3 : i32
          %dma_wait3A_255 = arith.constant 0 : i32
          %dma_wait3A_256 = arith.constant 0 : i32
          %dma_wait3A_257 = tpu.memref_slice %arg8[%dma_wait3A_254, %dma_wait3A_255, %dma_wait3A_256] : memref<4x80x128xf32, #tpu.memory_space<vmem>> -> memref<1x80x128xf32, #tpu.memory_space<vmem>>
          %dma_wait3A_258 = tpu.memref_squeeze %dma_wait3A_257 : memref<1x80x128xf32, #tpu.memory_space<vmem>> -> memref<80x128xf32, #tpu.memory_space<vmem>>
          %dma_wait3A_259 = arith.constant 0 : i32
          %dma_wait3A_260 = tpu.memref_slice %arg7[%sub3A_253, %dma_wait3A_259] : memref<32x80xi32, #tpu.memory_space<vmem>> -> memref<1x80xi32, #tpu.memory_space<vmem>>
          %dma_wait3A_261 = tpu.memref_squeeze %dma_wait3A_260 : memref<1x80xi32, #tpu.memory_space<vmem>> -> memref<80xi32, #tpu.memory_space<vmem>>
          %dma_wait3A_262 = arith.constant 0 : i32
          %dma_wait3A_263 = arith.constant 0 : i32
          %dma_wait3A_264 = tpu.memref_slice %arg9[%dma_wait3A_262, %dma_wait3A_263] : memref<10240x128xf32, #tpu.memory_space<vmem_shared>> -> memref<10240x128xf32, #tpu.memory_space<vmem_shared>>
          tpu.wait_indirect_dma semaphore(%arg17 : memref<!tpu.dma_semaphore, #tpu.memory_space<semaphore_mem>>) src(%dma_wait3A_258 : memref<80x128xf32, #tpu.memory_space<vmem>>) dst(%dma_wait3A_264 : memref<10240x128xf32, #tpu.memory_space<vmem_shared>>)
        } else {
        }
        %add3A_178 = arith.constant 2 : i32
        %add3A_179 = arith.addi %add3A_150, %add3A_178 : i32
        %dma_start3A_180 = arith.constant 3 : i32
        %dma_start3A_181 = arith.constant 0 : i32
        %dma_start3A_182 = arith.constant 0 : i32
        %dma_start3A_183 = tpu.memref_slice %arg8[%dma_start3A_180, %dma_start3A_181, %dma_start3A_182] : memref<4x80x128xf32, #tpu.memory_space<vmem>> -> memref<1x80x128xf32, #tpu.memory_space<vmem>>
        %dma_start3A_184 = tpu.memref_squeeze %dma_start3A_183 : memref<1x80x128xf32, #tpu.memory_space<vmem>> -> memref<80x128xf32, #tpu.memory_space<vmem>>
        %dma_start3A_185 = arith.constant 0 : i32
        %dma_start3A_186 = tpu.memref_slice %arg6[%add3A_179, %dma_start3A_185] : memref<32x80xi32, #tpu.memory_space<vmem>> -> memref<1x80xi32, #tpu.memory_space<vmem>>
        %dma_start3A_187 = tpu.memref_squeeze %dma_start3A_186 : memref<1x80xi32, #tpu.memory_space<vmem>> -> memref<80xi32, #tpu.memory_space<vmem>>
        %dma_start3A_188 = arith.constant 0 : i32
        %dma_start3A_189 = arith.constant 0 : i32
        %dma_start3A_190 = tpu.memref_slice %arg4[%dma_start3A_188, %dma_start3A_189] : memref<10000x128xf32, #tpu.memory_space<hbm>> -> memref<10000x128xf32, #tpu.memory_space<hbm>>
        tpu.enqueue_indirect_dma source(%dma_start3A_190 : memref<10000x128xf32, #tpu.memory_space<hbm>>) target(%dma_start3A_184 : memref<80x128xf32, #tpu.memory_space<vmem>>) offsets(%dma_start3A_187 : memref<80xi32, #tpu.memory_space<vmem>>) semaphore(%arg13 : memref<!tpu.dma_semaphore, #tpu.memory_space<semaphore_mem>>)
        %mul3A_191 = arith.constant 4 : i32
        %mul3A_192 = arith.muli %scan3A_105, %mul3A_191 : i32
        %add3A_193 = arith.constant 2 : i32
        %add3A_194 = arith.addi %mul3A_192, %add3A_193 : i32
        %dma_wait3A_195 = arith.constant 2 : i32
        %dma_wait3A_196 = arith.constant 0 : i32
        %dma_wait3A_197 = arith.constant 0 : i32
        %dma_wait3A_198 = tpu.memref_slice %arg8[%dma_wait3A_195, %dma_wait3A_196, %dma_wait3A_197] : memref<4x80x128xf32, #tpu.memory_space<vmem>> -> memref<1x80x128xf32, #tpu.memory_space<vmem>>
        %dma_wait3A_199 = tpu.memref_squeeze %dma_wait3A_198 : memref<1x80x128xf32, #tpu.memory_space<vmem>> -> memref<80x128xf32, #tpu.memory_space<vmem>>
        %dma_wait3A_200 = arith.constant 0 : i32
        %dma_wait3A_201 = tpu.memref_slice %arg6[%add3A_194, %dma_wait3A_200] : memref<32x80xi32, #tpu.memory_space<vmem>> -> memref<1x80xi32, #tpu.memory_space<vmem>>
        %dma_wait3A_202 = tpu.memref_squeeze %dma_wait3A_201 : memref<1x80xi32, #tpu.memory_space<vmem>> -> memref<80xi32, #tpu.memory_space<vmem>>
        %dma_wait3A_203 = arith.constant 0 : i32
        %dma_wait3A_204 = arith.constant 0 : i32
        %dma_wait3A_205 = tpu.memref_slice %arg4[%dma_wait3A_203, %dma_wait3A_204] : memref<10000x128xf32, #tpu.memory_space<hbm>> -> memref<10000x128xf32, #tpu.memory_space<hbm>>
        tpu.wait_indirect_dma semaphore(%arg12 : memref<!tpu.dma_semaphore, #tpu.memory_space<semaphore_mem>>) src(%dma_wait3A_205 : memref<10000x128xf32, #tpu.memory_space<hbm>>) dst(%dma_wait3A_199 : memref<80x128xf32, #tpu.memory_space<vmem>>)
        %dma_start3A_206 = arith.constant 2 : i32
        %dma_start3A_207 = arith.constant 0 : i32
        %dma_start3A_208 = arith.constant 0 : i32
        %dma_start3A_209 = tpu.memref_slice %arg8[%dma_start3A_206, %dma_start3A_207, %dma_start3A_208] : memref<4x80x128xf32, #tpu.memory_space<vmem>> -> memref<1x80x128xf32, #tpu.memory_space<vmem>>
        %dma_start3A_210 = tpu.memref_squeeze %dma_start3A_209 : memref<1x80x128xf32, #tpu.memory_space<vmem>> -> memref<80x128xf32, #tpu.memory_space<vmem>>
        %dma_start3A_211 = arith.constant 0 : i32
        %dma_start3A_212 = tpu.memref_slice %arg7[%add3A_194, %dma_start3A_211] : memref<32x80xi32, #tpu.memory_space<vmem>> -> memref<1x80xi32, #tpu.memory_space<vmem>>
        %dma_start3A_213 = tpu.memref_squeeze %dma_start3A_212 : memref<1x80xi32, #tpu.memory_space<vmem>> -> memref<80xi32, #tpu.memory_space<vmem>>
        %dma_start3A_214 = arith.constant 0 : i32
        %dma_start3A_215 = arith.constant 0 : i32
        %dma_start3A_216 = tpu.memref_slice %arg9[%dma_start3A_214, %dma_start3A_215] : memref<10240x128xf32, #tpu.memory_space<vmem_shared>> -> memref<10240x128xf32, #tpu.memory_space<vmem_shared>>
        tpu.enqueue_indirect_dma source(%dma_start3A_210 : memref<80x128xf32, #tpu.memory_space<vmem>>) target(%dma_start3A_216 : memref<10240x128xf32, #tpu.memory_space<vmem_shared>>) offsets(%dma_start3A_213 : memref<80xi32, #tpu.memory_space<vmem>>) semaphore(%arg16 : memref<!tpu.dma_semaphore, #tpu.memory_space<semaphore_mem>>) {add = true}
        %lt3A = arith.constant 7 : i32
        %lt3A_217 = arith.cmpi slt, %scan3A_105, %lt3A : i32
        %convert_element_type3A_218 = arith.extui %lt3A_217 : i1 to i32
        %cond3A_219 = arith.constant 0 : i32
        %cond3A_220 = arith.cmpi ne, %convert_element_type3A_218, %cond3A_219 : i32
        scf.if %cond3A_220 {
          %sub3A = arith.constant 2 : i32
          %sub3A_253 = arith.subi %add3A_194, %sub3A : i32
          %dma_wait3A_254 = arith.constant 0 : i32
          %dma_wait3A_255 = arith.constant 0 : i32
          %dma_wait3A_256 = arith.constant 0 : i32
          %dma_wait3A_257 = tpu.memref_slice %arg8[%dma_wait3A_254, %dma_wait3A_255, %dma_wait3A_256] : memref<4x80x128xf32, #tpu.memory_space<vmem>> -> memref<1x80x128xf32, #tpu.memory_space<vmem>>
          %dma_wait3A_258 = tpu.memref_squeeze %dma_wait3A_257 : memref<1x80x128xf32, #tpu.memory_space<vmem>> -> memref<80x128xf32, #tpu.memory_space<vmem>>
          %dma_wait3A_259 = arith.constant 0 : i32
          %dma_wait3A_260 = tpu.memref_slice %arg7[%sub3A_253, %dma_wait3A_259] : memref<32x80xi32, #tpu.memory_space<vmem>> -> memref<1x80xi32, #tpu.memory_space<vmem>>
          %dma_wait3A_261 = tpu.memref_squeeze %dma_wait3A_260 : memref<1x80xi32, #tpu.memory_space<vmem>> -> memref<80xi32, #tpu.memory_space<vmem>>
          %dma_wait3A_262 = arith.constant 0 : i32
          %dma_wait3A_263 = arith.constant 0 : i32
          %dma_wait3A_264 = tpu.memref_slice %arg9[%dma_wait3A_262, %dma_wait3A_263] : memref<10240x128xf32, #tpu.memory_space<vmem_shared>> -> memref<10240x128xf32, #tpu.memory_space<vmem_shared>>
          tpu.wait_indirect_dma semaphore(%arg14 : memref<!tpu.dma_semaphore, #tpu.memory_space<semaphore_mem>>) src(%dma_wait3A_258 : memref<80x128xf32, #tpu.memory_space<vmem>>) dst(%dma_wait3A_264 : memref<10240x128xf32, #tpu.memory_space<vmem_shared>>)
          %add3A_265 = arith.constant 2 : i32
          %add3A_266 = arith.addi %add3A_194, %add3A_265 : i32
          %dma_start3A_267 = arith.constant 0 : i32
          %dma_start3A_268 = arith.constant 0 : i32
          %dma_start3A_269 = arith.constant 0 : i32
          %dma_start3A_270 = tpu.memref_slice %arg8[%dma_start3A_267, %dma_start3A_268, %dma_start3A_269] : memref<4x80x128xf32, #tpu.memory_space<vmem>> -> memref<1x80x128xf32, #tpu.memory_space<vmem>>
          %dma_start3A_271 = tpu.memref_squeeze %dma_start3A_270 : memref<1x80x128xf32, #tpu.memory_space<vmem>> -> memref<80x128xf32, #tpu.memory_space<vmem>>
          %dma_start3A_272 = arith.constant 0 : i32
          %dma_start3A_273 = tpu.memref_slice %arg6[%add3A_266, %dma_start3A_272] : memref<32x80xi32, #tpu.memory_space<vmem>> -> memref<1x80xi32, #tpu.memory_space<vmem>>
          %dma_start3A_274 = tpu.memref_squeeze %dma_start3A_273 : memref<1x80xi32, #tpu.memory_space<vmem>> -> memref<80xi32, #tpu.memory_space<vmem>>
          %dma_start3A_275 = arith.constant 0 : i32
          %dma_start3A_276 = arith.constant 0 : i32
          %dma_start3A_277 = tpu.memref_slice %arg4[%dma_start3A_275, %dma_start3A_276] : memref<10000x128xf32, #tpu.memory_space<hbm>> -> memref<10000x128xf32, #tpu.memory_space<hbm>>
          tpu.enqueue_indirect_dma source(%dma_start3A_277 : memref<10000x128xf32, #tpu.memory_space<hbm>>) target(%dma_start3A_271 : memref<80x128xf32, #tpu.memory_space<vmem>>) offsets(%dma_start3A_274 : memref<80xi32, #tpu.memory_space<vmem>>) semaphore(%arg10 : memref<!tpu.dma_semaphore, #tpu.memory_space<semaphore_mem>>)
        } else {
        }
        %mul3A_221 = arith.constant 4 : i32
        %mul3A_222 = arith.muli %scan3A_105, %mul3A_221 : i32
        %add3A_223 = arith.constant 3 : i32
        %add3A_224 = arith.addi %mul3A_222, %add3A_223 : i32
        %dma_wait3A_225 = arith.constant 3 : i32
        %dma_wait3A_226 = arith.constant 0 : i32
        %dma_wait3A_227 = arith.constant 0 : i32
        %dma_wait3A_228 = tpu.memref_slice %arg8[%dma_wait3A_225, %dma_wait3A_226, %dma_wait3A_227] : memref<4x80x128xf32, #tpu.memory_space<vmem>> -> memref<1x80x128xf32, #tpu.memory_space<vmem>>
        %dma_wait3A_229 = tpu.memref_squeeze %dma_wait3A_228 : memref<1x80x128xf32, #tpu.memory_space<vmem>> -> memref<80x128xf32, #tpu.memory_space<vmem>>
        %dma_wait3A_230 = arith.constant 0 : i32
        %dma_wait3A_231 = tpu.memref_slice %arg6[%add3A_224, %dma_wait3A_230] : memref<32x80xi32, #tpu.memory_space<vmem>> -> memref<1x80xi32, #tpu.memory_space<vmem>>
        %dma_wait3A_232 = tpu.memref_squeeze %dma_wait3A_231 : memref<1x80xi32, #tpu.memory_space<vmem>> -> memref<80xi32, #tpu.memory_space<vmem>>
        %dma_wait3A_233 = arith.constant 0 : i32
        %dma_wait3A_234 = arith.constant 0 : i32
        %dma_wait3A_235 = tpu.memref_slice %arg4[%dma_wait3A_233, %dma_wait3A_234] : memref<10000x128xf32, #tpu.memory_space<hbm>> -> memref<10000x128xf32, #tpu.memory_space<hbm>>
        tpu.wait_indirect_dma semaphore(%arg13 : memref<!tpu.dma_semaphore, #tpu.memory_space<semaphore_mem>>) src(%dma_wait3A_235 : memref<10000x128xf32, #tpu.memory_space<hbm>>) dst(%dma_wait3A_229 : memref<80x128xf32, #tpu.memory_space<vmem>>)
        %dma_start3A_236 = arith.constant 3 : i32
        %dma_start3A_237 = arith.constant 0 : i32
        %dma_start3A_238 = arith.constant 0 : i32
        %dma_start3A_239 = tpu.memref_slice %arg8[%dma_start3A_236, %dma_start3A_237, %dma_start3A_238] : memref<4x80x128xf32, #tpu.memory_space<vmem>> -> memref<1x80x128xf32, #tpu.memory_space<vmem>>
        %dma_start3A_240 = tpu.memref_squeeze %dma_start3A_239 : memref<1x80x128xf32, #tpu.memory_space<vmem>> -> memref<80x128xf32, #tpu.memory_space<vmem>>
        %dma_start3A_241 = arith.constant 0 : i32
        %dma_start3A_242 = tpu.memref_slice %arg7[%add3A_224, %dma_start3A_241] : memref<32x80xi32, #tpu.memory_space<vmem>> -> memref<1x80xi32, #tpu.memory_space<vmem>>
        %dma_start3A_243 = tpu.memref_squeeze %dma_start3A_242 : memref<1x80xi32, #tpu.memory_space<vmem>> -> memref<80xi32, #tpu.memory_space<vmem>>
        %dma_start3A_244 = arith.constant 0 : i32
        %dma_start3A_245 = arith.constant 0 : i32
        %dma_start3A_246 = tpu.memref_slice %arg9[%dma_start3A_244, %dma_start3A_245] : memref<10240x128xf32, #tpu.memory_space<vmem_shared>> -> memref<10240x128xf32, #tpu.memory_space<vmem_shared>>
        tpu.enqueue_indirect_dma source(%dma_start3A_240 : memref<80x128xf32, #tpu.memory_space<vmem>>) target(%dma_start3A_246 : memref<10240x128xf32, #tpu.memory_space<vmem_shared>>) offsets(%dma_start3A_243 : memref<80xi32, #tpu.memory_space<vmem>>) semaphore(%arg17 : memref<!tpu.dma_semaphore, #tpu.memory_space<semaphore_mem>>) {add = true}
        %lt3A_247 = arith.constant 7 : i32
        %lt3A_248 = arith.cmpi slt, %scan3A_105, %lt3A_247 : i32
        %convert_element_type3A_249 = arith.extui %lt3A_248 : i1 to i32
        %cond3A_250 = arith.constant 0 : i32
        %cond3A_251 = arith.cmpi ne, %convert_element_type3A_249, %cond3A_250 : i32
        scf.if %cond3A_251 {
          %sub3A = arith.constant 2 : i32
          %sub3A_253 = arith.subi %add3A_224, %sub3A : i32
          %dma_wait3A_254 = arith.constant 1 : i32
          %dma_wait3A_255 = arith.constant 0 : i32
          %dma_wait3A_256 = arith.constant 0 : i32
          %dma_wait3A_257 = tpu.memref_slice %arg8[%dma_wait3A_254, %dma_wait3A_255, %dma_wait3A_256] : memref<4x80x128xf32, #tpu.memory_space<vmem>> -> memref<1x80x128xf32, #tpu.memory_space<vmem>>
          %dma_wait3A_258 = tpu.memref_squeeze %dma_wait3A_257 : memref<1x80x128xf32, #tpu.memory_space<vmem>> -> memref<80x128xf32, #tpu.memory_space<vmem>>
          %dma_wait3A_259 = arith.constant 0 : i32
          %dma_wait3A_260 = tpu.memref_slice %arg7[%sub3A_253, %dma_wait3A_259] : memref<32x80xi32, #tpu.memory_space<vmem>> -> memref<1x80xi32, #tpu.memory_space<vmem>>
          %dma_wait3A_261 = tpu.memref_squeeze %dma_wait3A_260 : memref<1x80xi32, #tpu.memory_space<vmem>> -> memref<80xi32, #tpu.memory_space<vmem>>
          %dma_wait3A_262 = arith.constant 0 : i32
          %dma_wait3A_263 = arith.constant 0 : i32
          %dma_wait3A_264 = tpu.memref_slice %arg9[%dma_wait3A_262, %dma_wait3A_263] : memref<10240x128xf32, #tpu.memory_space<vmem_shared>> -> memref<10240x128xf32, #tpu.memory_space<vmem_shared>>
          tpu.wait_indirect_dma semaphore(%arg15 : memref<!tpu.dma_semaphore, #tpu.memory_space<semaphore_mem>>) src(%dma_wait3A_258 : memref<80x128xf32, #tpu.memory_space<vmem>>) dst(%dma_wait3A_264 : memref<10240x128xf32, #tpu.memory_space<vmem_shared>>)
          %add3A_265 = arith.constant 2 : i32
          %add3A_266 = arith.addi %add3A_224, %add3A_265 : i32
          %dma_start3A_267 = arith.constant 1 : i32
          %dma_start3A_268 = arith.constant 0 : i32
          %dma_start3A_269 = arith.constant 0 : i32
          %dma_start3A_270 = tpu.memref_slice %arg8[%dma_start3A_267, %dma_start3A_268, %dma_start3A_269] : memref<4x80x128xf32, #tpu.memory_space<vmem>> -> memref<1x80x128xf32, #tpu.memory_space<vmem>>
          %dma_start3A_271 = tpu.memref_squeeze %dma_start3A_270 : memref<1x80x128xf32, #tpu.memory_space<vmem>> -> memref<80x128xf32, #tpu.memory_space<vmem>>
          %dma_start3A_272 = arith.constant 0 : i32
          %dma_start3A_273 = tpu.memref_slice %arg6[%add3A_266, %dma_start3A_272] : memref<32x80xi32, #tpu.memory_space<vmem>> -> memref<1x80xi32, #tpu.memory_space<vmem>>
          %dma_start3A_274 = tpu.memref_squeeze %dma_start3A_273 : memref<1x80xi32, #tpu.memory_space<vmem>> -> memref<80xi32, #tpu.memory_space<vmem>>
          %dma_start3A_275 = arith.constant 0 : i32
          %dma_start3A_276 = arith.constant 0 : i32
          %dma_start3A_277 = tpu.memref_slice %arg4[%dma_start3A_275, %dma_start3A_276] : memref<10000x128xf32, #tpu.memory_space<hbm>> -> memref<10000x128xf32, #tpu.memory_space<hbm>>
          tpu.enqueue_indirect_dma source(%dma_start3A_277 : memref<10000x128xf32, #tpu.memory_space<hbm>>) target(%dma_start3A_271 : memref<80x128xf32, #tpu.memory_space<vmem>>) offsets(%dma_start3A_274 : memref<80xi32, #tpu.memory_space<vmem>>) semaphore(%arg11 : memref<!tpu.dma_semaphore, #tpu.memory_space<semaphore_mem>>)
        } else {
        }
        %scan3A_252 = arith.constant 0 : i32
        scf.yield %scan3A_252 : i32
      }
      %scan3A_56 = arith.constant 8 : i32
      %dma_wait3A = arith.constant 0 : i32
      %dma_wait3A_57 = arith.constant 28 : i32
      %dma_wait3A_58 = arith.constant 0 : i32
      %dma_wait3A_59 = arith.constant 0 : i32
      %dma_wait3A_60 = tpu.memref_slice %arg8[%dma_wait3A, %dma_wait3A_58, %dma_wait3A_59] : memref<4x80x128xf32, #tpu.memory_space<vmem>> -> memref<1x80x128xf32, #tpu.memory_space<vmem>>
      %dma_wait3A_61 = tpu.memref_squeeze %dma_wait3A_60 : memref<1x80x128xf32, #tpu.memory_space<vmem>> -> memref<80x128xf32, #tpu.memory_space<vmem>>
      %dma_wait3A_62 = arith.constant 0 : i32
      %dma_wait3A_63 = tpu.memref_slice %arg7[%dma_wait3A_57, %dma_wait3A_62] : memref<32x80xi32, #tpu.memory_space<vmem>> -> memref<1x80xi32, #tpu.memory_space<vmem>>
      %dma_wait3A_64 = tpu.memref_squeeze %dma_wait3A_63 : memref<1x80xi32, #tpu.memory_space<vmem>> -> memref<80xi32, #tpu.memory_space<vmem>>
      %dma_wait3A_65 = arith.constant 0 : i32
      %dma_wait3A_66 = arith.constant 0 : i32
      %dma_wait3A_67 = tpu.memref_slice %arg9[%dma_wait3A_65, %dma_wait3A_66] : memref<10240x128xf32, #tpu.memory_space<vmem_shared>> -> memref<10240x128xf32, #tpu.memory_space<vmem_shared>>
      tpu.wait_indirect_dma semaphore(%arg14 : memref<!tpu.dma_semaphore, #tpu.memory_space<semaphore_mem>>) src(%dma_wait3A_61 : memref<80x128xf32, #tpu.memory_space<vmem>>) dst(%dma_wait3A_67 : memref<10240x128xf32, #tpu.memory_space<vmem_shared>>)
      %dma_wait3A_68 = arith.constant 1 : i32
      %dma_wait3A_69 = arith.constant 29 : i32
      %dma_wait3A_70 = arith.constant 0 : i32
      %dma_wait3A_71 = arith.constant 0 : i32
      %dma_wait3A_72 = tpu.memref_slice %arg8[%dma_wait3A_68, %dma_wait3A_70, %dma_wait3A_71] : memref<4x80x128xf32, #tpu.memory_space<vmem>> -> memref<1x80x128xf32, #tpu.memory_space<vmem>>
      %dma_wait3A_73 = tpu.memref_squeeze %dma_wait3A_72 : memref<1x80x128xf32, #tpu.memory_space<vmem>> -> memref<80x128xf32, #tpu.memory_space<vmem>>
      %dma_wait3A_74 = arith.constant 0 : i32
      %dma_wait3A_75 = tpu.memref_slice %arg7[%dma_wait3A_69, %dma_wait3A_74] : memref<32x80xi32, #tpu.memory_space<vmem>> -> memref<1x80xi32, #tpu.memory_space<vmem>>
      %dma_wait3A_76 = tpu.memref_squeeze %dma_wait3A_75 : memref<1x80xi32, #tpu.memory_space<vmem>> -> memref<80xi32, #tpu.memory_space<vmem>>
      %dma_wait3A_77 = arith.constant 0 : i32
      %dma_wait3A_78 = arith.constant 0 : i32
      %dma_wait3A_79 = tpu.memref_slice %arg9[%dma_wait3A_77, %dma_wait3A_78] : memref<10240x128xf32, #tpu.memory_space<vmem_shared>> -> memref<10240x128xf32, #tpu.memory_space<vmem_shared>>
      tpu.wait_indirect_dma semaphore(%arg15 : memref<!tpu.dma_semaphore, #tpu.memory_space<semaphore_mem>>) src(%dma_wait3A_73 : memref<80x128xf32, #tpu.memory_space<vmem>>) dst(%dma_wait3A_79 : memref<10240x128xf32, #tpu.memory_space<vmem_shared>>)
      %dma_wait3A_80 = arith.constant 2 : i32
      %dma_wait3A_81 = arith.constant 30 : i32
      %dma_wait3A_82 = arith.constant 0 : i32
      %dma_wait3A_83 = arith.constant 0 : i32
      %dma_wait3A_84 = tpu.memref_slice %arg8[%dma_wait3A_80, %dma_wait3A_82, %dma_wait3A_83] : memref<4x80x128xf32, #tpu.memory_space<vmem>> -> memref<1x80x128xf32, #tpu.memory_space<vmem>>
      %dma_wait3A_85 = tpu.memref_squeeze %dma_wait3A_84 : memref<1x80x128xf32, #tpu.memory_space<vmem>> -> memref<80x128xf32, #tpu.memory_space<vmem>>
      %dma_wait3A_86 = arith.constant 0 : i32
      %dma_wait3A_87 = tpu.memref_slice %arg7[%dma_wait3A_81, %dma_wait3A_86] : memref<32x80xi32, #tpu.memory_space<vmem>> -> memref<1x80xi32, #tpu.memory_space<vmem>>
      %dma_wait3A_88 = tpu.memref_squeeze %dma_wait3A_87 : memref<1x80xi32, #tpu.memory_space<vmem>> -> memref<80xi32, #tpu.memory_space<vmem>>
      %dma_wait3A_89 = arith.constant 0 : i32
      %dma_wait3A_90 = arith.constant 0 : i32
      %dma_wait3A_91 = tpu.memref_slice %arg9[%dma_wait3A_89, %dma_wait3A_90] : memref<10240x128xf32, #tpu.memory_space<vmem_shared>> -> memref<10240x128xf32, #tpu.memory_space<vmem_shared>>
      tpu.wait_indirect_dma semaphore(%arg16 : memref<!tpu.dma_semaphore, #tpu.memory_space<semaphore_mem>>) src(%dma_wait3A_85 : memref<80x128xf32, #tpu.memory_space<vmem>>) dst(%dma_wait3A_91 : memref<10240x128xf32, #tpu.memory_space<vmem_shared>>)
      %dma_wait3A_92 = arith.constant 3 : i32
      %dma_wait3A_93 = arith.constant 31 : i32
      %dma_wait3A_94 = arith.constant 0 : i32
      %dma_wait3A_95 = arith.constant 0 : i32
      %dma_wait3A_96 = tpu.memref_slice %arg8[%dma_wait3A_92, %dma_wait3A_94, %dma_wait3A_95] : memref<4x80x128xf32, #tpu.memory_space<vmem>> -> memref<1x80x128xf32, #tpu.memory_space<vmem>>
      %dma_wait3A_97 = tpu.memref_squeeze %dma_wait3A_96 : memref<1x80x128xf32, #tpu.memory_space<vmem>> -> memref<80x128xf32, #tpu.memory_space<vmem>>
      %dma_wait3A_98 = arith.constant 0 : i32
      %dma_wait3A_99 = tpu.memref_slice %arg7[%dma_wait3A_93, %dma_wait3A_98] : memref<32x80xi32, #tpu.memory_space<vmem>> -> memref<1x80xi32, #tpu.memory_space<vmem>>
      %dma_wait3A_100 = tpu.memref_squeeze %dma_wait3A_99 : memref<1x80xi32, #tpu.memory_space<vmem>> -> memref<80xi32, #tpu.memory_space<vmem>>
      %dma_wait3A_101 = arith.constant 0 : i32
      %dma_wait3A_102 = arith.constant 0 : i32
      %dma_wait3A_103 = tpu.memref_slice %arg9[%dma_wait3A_101, %dma_wait3A_102] : memref<10240x128xf32, #tpu.memory_space<vmem_shared>> -> memref<10240x128xf32, #tpu.memory_space<vmem_shared>>
      tpu.wait_indirect_dma semaphore(%arg17 : memref<!tpu.dma_semaphore, #tpu.memory_space<semaphore_mem>>) src(%dma_wait3A_97 : memref<80x128xf32, #tpu.memory_space<vmem>>) dst(%dma_wait3A_103 : memref<10240x128xf32, #tpu.memory_space<vmem_shared>>)
      %scan3A_104 = arith.constant 0 : i32
      scf.yield %scan3A_104 : i32
    }
    %scan3A_20 = arith.constant 8 : i32
    %barrier3A_21 = arith.constant 0 : index
    tpu.barrier barrier_id(%barrier3A_21)
    %mul3A = arith.constant 640 : i32
    %mul3A_22 = arith.muli %arg1, %mul3A : i32
    %mul3A_23 = arith.constant 640 : i32
    %mul3A_24 = arith.muli %arg1, %mul3A_23 : i32
    "tpu.region"() ({
      %run_scoped3A = tpu.sem_alloc : memref<!tpu.dma_semaphore, #tpu.memory_space<semaphore_mem>>
      %dma_start3A = arith.constant 0 : i32
      %dma_start3A_25 = tpu.memref_slice %arg5[%arg0, %mul3A_24, %dma_start3A] : memref<2x10240x128xf32, #tpu.memory_space<hbm>> -> memref<1x640x128xf32, #tpu.memory_space<hbm>>
      %dma_start3A_26 = tpu.memref_squeeze %dma_start3A_25 : memref<1x640x128xf32, #tpu.memory_space<hbm>> -> memref<640x128xf32, #tpu.memory_space<hbm>>
      %dma_start3A_27 = arith.constant 0 : i32
      %dma_start3A_28 = tpu.memref_slice %arg9[%mul3A_22, %dma_start3A_27] : memref<10240x128xf32, #tpu.memory_space<vmem_shared>> -> memref<640x128xf32, #tpu.memory_space<vmem_shared>>
      tpu.enqueue_dma source(%dma_start3A_28 : memref<640x128xf32, #tpu.memory_space<vmem_shared>>) target(%dma_start3A_26 : memref<640x128xf32, #tpu.memory_space<hbm>>) target_semaphore(%run_scoped3A : memref<!tpu.dma_semaphore, #tpu.memory_space<semaphore_mem>>)
      %dma_wait3A = arith.constant 0 : i32
      %dma_wait3A_29 = tpu.memref_slice %arg5[%arg0, %mul3A_24, %dma_wait3A] : memref<2x10240x128xf32, #tpu.memory_space<hbm>> -> memref<1x640x128xf32, #tpu.memory_space<hbm>>
      %dma_wait3A_30 = tpu.memref_squeeze %dma_wait3A_29 : memref<1x640x128xf32, #tpu.memory_space<hbm>> -> memref<640x128xf32, #tpu.memory_space<hbm>>
      %dma_wait3A_31 = arith.constant 0 : i32
      %dma_wait3A_32 = tpu.memref_slice %arg9[%mul3A_22, %dma_wait3A_31] : memref<10240x128xf32, #tpu.memory_space<vmem_shared>> -> memref<640x128xf32, #tpu.memory_space<vmem_shared>>
      tpu.wait_dma2 semaphore(%run_scoped3A : memref<!tpu.dma_semaphore, #tpu.memory_space<semaphore_mem>>) src(%dma_wait3A_32 : memref<640x128xf32, #tpu.memory_space<vmem_shared>>) dst(%dma_wait3A_30 : memref<640x128xf32, #tpu.memory_space<hbm>>)
      tpu.yield
    }) : () -> ()
    return
  }
}

module attributes {stable_mosaic.version = 14 : i64} {
  func.func @body(%arg0: i32, %arg1: memref<2x2000x128xf32, #tpu.memory_space<vmem>>, %arg2: memref<2000x128xf32, #tpu.memory_space<vmem>>, %arg3: memref<128x128xf32, #tpu.memory_space<vmem>>, %arg4: memref<128x128xf32, #tpu.memory_space<vmem>>, %arg5: memref<128x128xf32, #tpu.memory_space<vmem>>, %arg6: memref<1x128xf32, #tpu.memory_space<vmem>>, %arg7: memref<2000x128xf32, #tpu.memory_space<vmem>>) attributes {dimension_semantics = [#tpu.dimension_semantics<arbitrary>], iteration_bounds = array<i64: 5>, scalar_prefetch = 0 : i64, scratch_operands = 0 : i64, tpu.core_type = #tpu.core_type<tc>, window_params = [{transform_indices = @transform_0, window_bounds = array<i64: 2, 2000, 128>}, {transform_indices = @transform_1, window_bounds = array<i64: 2000, 128>}, {pipeline_mode = #tpu.pipeline_mode<synchronous>, transform_indices = @transform_2, window_bounds = array<i64: 128, 128>}, {pipeline_mode = #tpu.pipeline_mode<synchronous>, transform_indices = @transform_3, window_bounds = array<i64: 128, 128>}, {pipeline_mode = #tpu.pipeline_mode<synchronous>, transform_indices = @transform_4, window_bounds = array<i64: 128, 128>}, {pipeline_mode = #tpu.pipeline_mode<synchronous>, transform_indices = @transform_5, window_bounds = array<i64: 1, 128>}, {transform_indices = @transform_6, window_bounds = array<i64: 2000, 128>}]} {
    %get3A = arith.constant 0 : index
    %get3A_0 = arith.constant 0 : index
    %get3A_1 = arith.constant 0 : index
    %get3A_2 = vector.load %arg1[%get3A, %get3A_0, %get3A_1] : memref<2x2000x128xf32, #tpu.memory_space<vmem>>, vector<1x2000x128xf32>
    %get3A_3 = vector.shape_cast %get3A_2 : vector<1x2000x128xf32> to vector<2000x128xf32>
    %get3A_4 = arith.constant 0 : index
    %get3A_5 = arith.constant 0 : index
    %get3A_6 = vector.load %arg3[%get3A_4, %get3A_5] : memref<128x128xf32, #tpu.memory_space<vmem>>, vector<128x128xf32>
    %dot_general3A = arith.constant dense<0.000000e+00> : vector<2000x128xf32>
    %dot_general3A_7 = tpu.matmul %get3A_3, %get3A_6, %dot_general3A {dimension_numbers = #tpu.dot_dimension_numbers<[1], [0], [0], [1], [0, 0, 1, 1], [], []>, transpose_lhs_hint = false} : vector<2000x128xf32>, vector<128x128xf32>, vector<2000x128xf32> -> vector<2000x128xf32>
    %get3A_8 = arith.constant 1 : index
    %get3A_9 = arith.constant 0 : index
    %get3A_10 = arith.constant 0 : index
    %get3A_11 = vector.load %arg1[%get3A_8, %get3A_9, %get3A_10] : memref<2x2000x128xf32, #tpu.memory_space<vmem>>, vector<1x2000x128xf32>
    %get3A_12 = vector.shape_cast %get3A_11 : vector<1x2000x128xf32> to vector<2000x128xf32>
    %get3A_13 = arith.constant 0 : index
    %get3A_14 = arith.constant 0 : index
    %get3A_15 = vector.load %arg4[%get3A_13, %get3A_14] : memref<128x128xf32, #tpu.memory_space<vmem>>, vector<128x128xf32>
    %dot_general3A_16 = arith.constant dense<0.000000e+00> : vector<2000x128xf32>
    %dot_general3A_17 = tpu.matmul %get3A_12, %get3A_15, %dot_general3A_16 {dimension_numbers = #tpu.dot_dimension_numbers<[1], [0], [0], [1], [0, 0, 1, 1], [], []>, transpose_lhs_hint = false} : vector<2000x128xf32>, vector<128x128xf32>, vector<2000x128xf32> -> vector<2000x128xf32>
    %add3A = arith.addf %dot_general3A_7, %dot_general3A_17 : vector<2000x128xf32>
    %get3A_18 = arith.constant 0 : index
    %get3A_19 = arith.constant 0 : index
    %get3A_20 = vector.load %arg2[%get3A_18, %get3A_19] : memref<2000x128xf32, #tpu.memory_space<vmem>>, vector<2000x128xf32>
    %get3A_21 = arith.constant 0 : index
    %get3A_22 = arith.constant 0 : index
    %get3A_23 = vector.load %arg5[%get3A_21, %get3A_22] : memref<128x128xf32, #tpu.memory_space<vmem>>, vector<128x128xf32>
    %dot_general3A_24 = arith.constant dense<0.000000e+00> : vector<2000x128xf32>
    %dot_general3A_25 = tpu.matmul %get3A_20, %get3A_23, %dot_general3A_24 {dimension_numbers = #tpu.dot_dimension_numbers<[1], [0], [0], [1], [0, 0, 1, 1], [], []>, transpose_lhs_hint = false} : vector<2000x128xf32>, vector<128x128xf32>, vector<2000x128xf32> -> vector<2000x128xf32>
    %add3A_26 = arith.addf %add3A, %dot_general3A_25 : vector<2000x128xf32>
    %get3A_27 = arith.constant 0 : index
    %get3A_28 = arith.constant 0 : index
    %get3A_29 = vector.load %arg6[%get3A_27, %get3A_28] : memref<1x128xf32, #tpu.memory_space<vmem>>, vector<1x128xf32>
    %add3A_30 = vector.broadcast %get3A_29 : vector<1x128xf32> to vector<2000x128xf32>
    %add3A_31 = arith.addf %add3A_26, %add3A_30 : vector<2000x128xf32>
    %max3A = arith.constant 0.000000e+00 : f32
    %max3A_32 = vector.broadcast %max3A : f32 to vector<2000x128xf32>
    %max3A_33 = arith.maximumf %add3A_31, %max3A_32 : vector<2000x128xf32>
    %swap3A = arith.constant 0 : index
    %swap3A_34 = arith.constant 0 : index
    %swap3A_35 = vector.load %arg7[%swap3A, %swap3A_34] : memref<2000x128xf32, #tpu.memory_space<vmem>>, vector<2000x128xf32>
    tpu.vector_store %arg7[%swap3A, %swap3A_34], %max3A_33 {strides = array<i32>} : memref<2000x128xf32, #tpu.memory_space<vmem>>, vector<2000x128xf32>,
    return
  }
  func.func @transform_0(%arg0: i32) -> (i32, i32, i32) {
    %c0_i32 = arith.constant 0 : i32
    %c0_i32_0 = arith.constant 0 : i32
    %c0_i32_1 = arith.constant 0 : i32
    return %c0_i32, %arg0, %c0_i32_0 : i32, i32, i32
  }
  func.func @transform_1(%arg0: i32) -> (i32, i32) {
    %c0_i32 = arith.constant 0 : i32
    %c0_i32_0 = arith.constant 0 : i32
    return %arg0, %c0_i32 : i32, i32
  }
  func.func @transform_2(%arg0: i32) -> (i32, i32) {
    %c0_i32 = arith.constant 0 : i32
    %c0_i32_0 = arith.constant 0 : i32
    %c0_i32_1 = arith.constant 0 : i32
    return %c0_i32, %c0_i32_0 : i32, i32
  }
  func.func @transform_3(%arg0: i32) -> (i32, i32) {
    %c0_i32 = arith.constant 0 : i32
    %c0_i32_0 = arith.constant 0 : i32
    %c0_i32_1 = arith.constant 0 : i32
    return %c0_i32, %c0_i32_0 : i32, i32
  }
  func.func @transform_4(%arg0: i32) -> (i32, i32) {
    %c0_i32 = arith.constant 0 : i32
    %c0_i32_0 = arith.constant 0 : i32
    %c0_i32_1 = arith.constant 0 : i32
    return %c0_i32, %c0_i32_0 : i32, i32
  }
  func.func @transform_5(%arg0: i32) -> (i32, i32) {
    %c0_i32 = arith.constant 0 : i32
    %c0_i32_0 = arith.constant 0 : i32
    %c0_i32_1 = arith.constant 0 : i32
    return %c0_i32, %c0_i32_0 : i32, i32
  }
  func.func @transform_6(%arg0: i32) -> (i32, i32) {
    %c0_i32 = arith.constant 0 : i32
    %c0_i32_0 = arith.constant 0 : i32
    return %arg0, %c0_i32 : i32, i32
  }
}

</mosaic_0001>

<sc_bundles>
// kernel: kernel.4.cloned.1.call-start
scs
__scs_entry_jumppad:
0x0: {  	(pc) =	sbr.rel $0x88, $3  }
0x1: {  	(tag) =	ssettag $0x0;
	lr =	simm.s32 $0x1  }
0x2: {  	[smem:$0x3F9B] =	sst lr;
	_ =	strace $0xD0000000  }
0x3: {  	_ = 	snop  }
0x4: {  	_ = 	snop  }
0x5: {  	_ = 	snop  }
0x6: {  	_ = 	snop  }
0x7: {  	_ = 	snop  }
__scs_overlays_trampoline_lowered:
0x8: {  	[smem:$0x3FAA] =	sst s0  }
0x9: {  	[smem:$0x3FAB] =	sst s1  }
0xa: {  	[smem:$0x3FAC] =	sst s2  }
0xb: {  	[smem:$0x3FAD] =	sst s3  }
0xc: {  	[smem:$0x3FAE] =	sst s4  }
0xd: {  	[smem:$0x3FAF] =	sst s5  }
0xe: {  	[smem:$0x3FB0] =	sst s6  }
0xf: {  	[smem:$0x3FB1] =	sst s7  }
0x10: {  	[smem:$0x3FB2] =	sst s8  }
0x11: {  	[smem:$0x3FB3] =	sst s9;
	s0 =	simm.s32 @!p0 $0x0  }
0x12: {  	s1 =	sld [smem:$0x3F99];
	s0 =	simm.s32 @p0 $0x1  }
0x13: {  	[smem:$0x3FB4] =	sst s0;
	s0 =	simm.s32 @!p1 $0x0  }
0x14: {  	s2 =	sld [smem:$0x3F98];
	s0 =	simm.s32 @p1 $0x1  }
0x15: {  	[smem:$0x3FB5] =	sst s0;
	s0 =	simm.s32 @!p2 $0x0  }
0x16: {  	s3 =	sld [smem:$0x3FDB];
	s0 =	simm.s32 @p2 $0x1  }
0x17: {  	s4 =	simm.s32 $0x1BF5;
	[smem:$0x3FB7] =	sst s0  }
0x18: {  	s0 =	sld [smem:$0x3F9A];
	_ =	swait.ge [sflag:s4], $0x0  }
0x19: {  	s7 =	sld [smem:$0x3F9B]  }
0x1a: {  	s8 =	sadd.s32 $0xFFFFE003, lr  }
0x1b: {  	s9 =	sadd.s32 $0xFFFFFEF7, lr;
	s5 =	simm.s32 $0xFFFFFFFF;
	p2 =	slt.u32 s8, $0xFFFFF086  }
0x1c: {  	p1 =	slt.u32 s9, $0xF7A;
	s5 =	simm.s32 @!p2 $0x0  }
0x1d: {  	s5 =	simm.s32 @p1 $0x1;
	p0 =	seq.s32 s7, s2  }
0x1e: {  	s7 =	smul.u32 @!p0 $0xF7A, s2;
	p2 =	seq.s32 @!p0 s5, $0x0  }
0x1f: {  	s9 =	smul.u32 $0xF7A, s1;
	s8 =	simm.s32 @!p0 $0x1BF5;
	p2 =	por !p2, p0  }
0x20: {  	[sflag:s8] =	ssyncset.s32 @!p0 $0xFFFFF086;
	s6 =	sadd.s32 @!p0 s3, s7;
	s7 =	simm.s32 @!p0 $0x108  }
0x21: {  	s3 =	sadd.s32 s3, s9;
	s6 =	sadd.s32 @!p0 $0x88, s6;
	s7 =	simm.s32 @p2 $0x1082  }
0x22: {  	[simem:s7], [sflag:s8] =	dma.local @!p0 [hbm:s6], $0xF7A  }
0x23: {  	s9 =	sor.u32 $0xD0000000, s2;
	s6 =	simm.s32 $0x108;
	_ =	swait.ge @!p0 [sflag:s8], $0x0  }
0x24: {  	s3 =	sadd.s32 $0x88, s3;
	s6 =	simm.s32 @!p1 $0x1082;
	[sflag:s4] =	ssyncset.s32 $0xFFFFF086  }
0x25: {  	[simem:s6], [sflag:s4] =	dma.local [hbm:s3], $0xF7A  }
0x26: {  	[smem:$0x3F9B] =	sst s1;
	(tag) =	ssettag s2;
	_ =	strace s9  }
0x27: {  	s1 =	sld [smem:$0x3FAB]  }
0x28: {  	s2 =	sld [smem:$0x3FAC]  }
0x29: {  	s4 =	sld [smem:$0x3FAE]  }
0x2a: {  	p0 =	seq.s32 s5, $0x0;
	s5 =	sld [smem:$0x3FAF]  }
0x2b: {  	s6 =	sld [smem:$0x3FB0]  }
0x2c: {  	s7 =	sld [smem:$0x3FB1]  }
0x2d: {  	s3 =	simm.s32 $0x108;
	s8 =	sld [smem:$0x3FB2]  }
0x2e: {  	s3 =	simm.s32 @!p0 $0x1082;
	s9 =	sld [smem:$0x3FB3]  }
0x2f: {  	lr =	sadd.s32 s0, s3;
	s0 =	sld [smem:$0x3FAA]  }
0x30: {  	s3 =	sld [smem:$0x3FAD]  }
0x31: {  	[smem:$0x3FB6] =	sst s10  }
0x32: {  	s10 =	sld [smem:$0x3FB4];
	_ =	sdelay $0x3  }
0x33: {  	p0 =	seq.s32 s10, $0x1;
	s10 =	sld [smem:$0x3FB6];
	_ =	sdelay $0x3  }
0x34: {  	[smem:$0x3FB6] =	sst s10  }
0x35: {  	s10 =	sld [smem:$0x3FB5];
	_ =	sdelay $0x3  }
0x36: {  	p1 =	seq.s32 s10, $0x1;
	s10 =	sld [smem:$0x3FB6];
	_ =	sdelay $0x3  }
0x37: {  	[smem:$0x3FB6] =	sst s10  }
0x38: {  	s10 =	sld [smem:$0x3FB7]  }
0x39: {  	_ = 	snop;
	(pc) =	sbr.ind lr, $3  }
0x3a: {  	_ = 	snop  }
0x3b: {  	_ = 	snop  }
0x3c: {  	p2 =	seq.s32 s10, $0x1;
	s10 =	sld [smem:$0x3FB6]  }
0x3d: {  	_ =	shalt  }
0x3e: {  	_ =	shalt  }
0x3f: {  	_ =	shalt  }
0x40: {  	_ =	shalt  }
0x41: {  	_ =	shalt  }
0x42: {  	_ =	shalt  }
0x43: {  	_ =	shalt  }
0x44: {  	_ =	shalt  }
0x45: {  	_ =	shalt  }
0x46: {  	_ =	shalt  }
0x47: {  	_ =	shalt  }
0x48: {  	_ =	shalt  }
0x49: {  	_ =	shalt  }
0x4a: {  	_ =	shalt  }
0x4b: {  	_ =	shalt  }
0x4c: {  	_ =	shalt  }
0x4d: {  	_ =	shalt  }
0x4e: {  	_ =	shalt  }
0x4f: {  	_ =	shalt  }
0x50: {  	_ =	shalt  }
0x51: {  	_ =	shalt  }
0x52: {  	_ =	shalt  }
0x53: {  	_ =	shalt  }
0x54: {  	_ =	shalt  }
0x55: {  	_ =	shalt  }
0x56: {  	_ =	shalt  }
0x57: {  	_ =	shalt  }
0x58: {  	_ =	shalt  }
0x59: {  	_ =	shalt  }
0x5a: {  	_ =	shalt  }
0x5b: {  	_ =	shalt  }
0x5c: {  	_ =	shalt  }
0x5d: {  	_ =	shalt  }
0x5e: {  	_ =	shalt  }
0x5f: {  	_ =	shalt  }
0x60: {  	_ =	shalt  }
0x61: {  	_ =	shalt  }
0x62: {  	_ =	shalt  }
0x63: {  	_ =	shalt  }
0x64: {  	_ =	shalt  }
0x65: {  	_ =	shalt  }
0x66: {  	_ =	shalt  }
0x67: {  	_ =	shalt  }
0x68: {  	_ =	shalt  }
0x69: {  	_ =	shalt  }
0x6a: {  	_ =	shalt  }
0x6b: {  	_ =	shalt  }
0x6c: {  	_ =	shalt  }
0x6d: {  	_ =	shalt  }
0x6e: {  	_ =	shalt  }
0x6f: {  	_ =	shalt  }
0x70: {  	_ =	shalt  }
0x71: {  	_ =	shalt  }
0x72: {  	_ =	shalt  }
0x73: {  	_ =	shalt  }
0x74: {  	_ =	shalt  }
0x75: {  	_ =	shalt  }
0x76: {  	_ =	shalt  }
0x77: {  	_ =	shalt  }
0x78: {  	_ =	shalt  }
0x79: {  	_ =	shalt  }
0x7a: {  	_ =	shalt  }
0x7b: {  	_ =	shalt  }
0x7c: {  	_ =	shalt  }
0x7d: {  	_ =	shalt  }
0x7e: {  	_ =	shalt  }
0x7f: {  	_ =	shalt  }
0x80: {  	_ =	shalt  }
0x81: {  	_ =	shalt  }
0x82: {  	_ =	shalt  }
0x83: {  	_ =	shalt  }
0x84: {  	_ =	shalt  }
0x85: {  	_ =	shalt  }
0x86: {  	_ =	shalt  }
0x87: {  	_ =	shalt  }
.Lfunc_end0:
.L_simem_size_0:
called_computation_lowered:
.L_overlay_start_0:
0x88: {  	s2 =	sld [smem:$0x3FD9]  }
0x89: {  	s3 =	sld [smem:$0x3FFE];
	_ =	sdelay $0x1  }
0x8a: {  	s1 =	srdreg.scid  }
0x8b: {  	s0 =	sand.u32 $0x1, s1  }
0x8c: {  	s17 =	sshll.u32 s0, $0xA;
	s2 =	sadd.s32 s3, s2  }
0x8d: {  	s2 =	sadd.s32 s2, s17  }
0x8e: {  	[smem:$0x3FC2] =	sst s2  }
0x8f: {  	_ = 	snop  }
0x90: {  	s2 =	sld [smem:$0x3FC9]  }
0x91: {  	s18 =	sld [smem:$0x3FD0];
	(tm) =	ssettm $0x1  }
0x92: {  	s4 =	sld [smem:$0x3FFB];
	_ =	sdelay $0x3  }
0x93: {  	_ =	strace s4  }
0x94: {  	s4 =	sld [smem:$0x3FFC];
	_ =	sdelay $0x3  }
0x95: {  	_ =	strace s4  }
0x96: {  	s4 =	sld [smem:$0x3FFD];
	_ =	sdelay $0x3  }
0x97: {  	_ =	strace s4  }
0x98: {  	_ =	strace $0x8FFFFFFF  }
0x99: {  	s19 =	sld [smem:$0x3FDB];
	_ =	sdelay $0x1  }
0x9a: {  	s5 =	simm.s32 $_scs_section_size  }
0x9b: {  	s6 =	simm.s32 $_size__tile_overlayer_lowered;
	s7 =	simm.s32 $_tile_overlayer_lowered  }
0x9c: {  	s22 =	simm.s32 $0x1BFF;
	s21 =	sshll.u32 s7, $0x1;
	s4 =	sadd.s32 s5, s19  }
0x9d: {  	s8 =	simm.s32 $0x0;
	s20 =	sshll.u32 s6, $0x1;
	s6 =	sadd.s32 s21, s4  }
0x9e: {  	[timem:s8], [sflag:s22] =	dma.local [hbm:s6], s20  }
0x9f: {  	_ =	swait.ge [sflag:s22], s20  }
0xa0: {  	s5 =	ssub.s32 $0x0, s20;
	[sflag:s22] =	ssyncset.done $0x0  }
0xa1: {  	[sflag:s22] =	ssyncadd.s32 s5;
	_ =	sdelay $0x1  }
0xa2: {  	s23 =	simm.s32 $0x1B8B  }
0xa3: {  	_ =	swait.ge [sflag:s23], $0x1  }
0xa4: {  	[sflag:s23] =	ssyncset.done $0x0  }
0xa5: {  	s25 =	simm.s32 $0x1B8E;
	s24 =	sld [smem:$0x3FFE];
	[sflag:s23] =	ssyncadd.s32 $0xFFFFFFFF  }
0xa6: {  	s26 =	simm.s32 $execute0_lowered;
	[smem:$0x3FD2] =	sst s25  }
0xa7: {  	s6 =	sshll.u32 s26, $0x1;
	_ =	strace $0x80000046;
	[dreg:$0x1] =	wrdreg $0xFFFFFFFF  }
0xa8: {  	s28 =	simm.s32 $_size_execute0_lowered;
	s4 =	sadd.s32 s4, s6;
	[dreg:$0x0] =	wrdreg $0x0  }
0xa9: {  	s6 =	sshll.u32 s28, $0x1;
	[dreg:$0x2] =	wrdreg s4  }
0xaa: {  	[dreg:$0x3] =	wrdreg s6  }
0xab: {  	[dreg:$0x4] =	wrdreg $0xC0  }
0xac: {  	_ =	task [dreg:s8], $0x5FFFF  }
0xad: {  	[dreg:$0x1] =	wrdreg $0xFFFFFFFF  }
0xae: {  	[dreg:$0x0] =	wrdreg $0x60  }
0xaf: {  	[dreg:$0x2] =	wrdreg s18  }
0xb0: {  	[dreg:$0x3] =	wrdreg s24  }
0xb1: {  	[dreg:$0x4] =	wrdreg s2  }
0xb2: {  	[dreg:$0x5] =	wrdreg $0xC0000  }
0xb3: {  	[dreg:$0x6] =	wrdreg $0x9  }
0xb4: {  	_ =	task.clear_ibuf [dreg:s8], $0x7FFFF;
	_ =	strace $0x90000046  }
0xb5: {  	s29 =	simm.s32 $0x9;
	_ =	strace $0x80000048  }
0xb6: {  	_ =	swait.ge [sflag:s29], $0x1  }
0xb7: {  	[sflag:s29] =	ssyncadd.s32 $0xFFFFFFFF  }
0xb8: {  	_ =	strace $0x90000048  }
0xb9: {  	_ =	sfence  }
0xba: {  	s30 =	sld [smem:$0x0];
	_ =	sdelay $0x2  }
0xbb: {  	s31 =	sshll.u32 s1, $0xD;
	s1 =	sshrl.u32 s1, $0x2  }
0xbc: {  	s3 =	sand.u32 $0x4000, s31;
	s1 =	sadd.s32 s1, s30  }
0xbd: {  	s0 =	sor.u32 s3, s0;
	s1 =	sshll.u32 s1, $0x11  }
0xbe: {  	s0 =	sor.u32 s1, s0  }
0xbf: {  	s0 =	sadd.s32 $0x8F2B, s0  }
0xc0: {  	[sflag:s0] =	ssyncadd.remote.s32 $0x1  }
0xc1: {  	_ =	sfence.sel $0xFFFF  }
0xc2: {  	[dreg:$0x0] =	wrdreg $0xFFFFFFFF;
	(pc) =	sbr.abs _section_cstart, $3  }
0xc3: {  	[dreg:$0x1] =	wrdreg $0xFFFFFFFF  }
0xc4: {  	_ =	task.clear_ibuf [dreg:s8], $0x2FFFF;
	_ =	strace $0x9FFFFFFF  }
0xc5: {  	(tm) =	ssettm $0x7FFFFFFF  }
tec
execute0_lowered:
.L_overlay_start_1:
0x0: {  	(tag) =	ssettag $0x1  }
0x1: {  	s0 =	rddreg [dreg:$0x1]  }
0x2: {  	s3 =	rddreg [dreg:$0x2];
	s1 =	srdreg.scid  }
0x3: {  	s4 =	rddreg [dreg:$0x3];
	s8 =	stileid.u32;
	s6 =	simm.s32 $0x0  }
0x4: {  	s28 =	simm.s32 $0x2;
	s29 =	simm.s32 $0x1080;
	s30 =	simm.s32 $0x180  }
0x5: {  	s31 =	simm.s32 $0x9800;
	s10 =	simm.s32 $0x4;
	s11 =	simm.s32 $0x1180  }
0x6: {  	s12 =	simm.s32 $0x6;
	s13 =	simm.s32 $0x280;
	s14 =	simm.s32 $0x7  }
0x7: {  	s15 =	simm.s32 $0x8;
	s1 =	sand.u32 $0x1, s1;
	s5 =	smul.u32 $0x14000, s8  }
0x8: {  	[smem:$0x7FF] =	sst s6;
	s7 =	smul.u32 $0x50000, s8;
	s6 =	sadd.s32 $0x1800, s0  }
0x9: {  	s8 =	sshll.u32 s8, $0xC;
	s2 =	smul.u32 $0x140000, s1;
	_ =	strace $0x80000047  }
0xa: {  	s16 =	ssub.s32 $0x2, s1;
	s1 =	sshll.u32 s1, $0x10;
	s9 =	sshrl.u32 s7, $0x2  }
0xb: {  	s17 =	sshrl.u32 s16, $0x1;
	s7 =	sor.u32 s8, s1;
	s22 =	sadd.s32 s9, s4  }
0xc: {  	s1 =	simm.s32 $0x3;
	s19 =	sadd.s32 $0x2800, s22;
	[dreg:$0x5] =	wrdreg s22  }
0xd: {  	s8 =	simm.s32 $0x0;
	s20 =	sadd.s32 $0x5000, s22;
	[dreg:$0x8] =	wrdreg s19  }
0xe: {  	s2 =	sadd.s32 s5, s2;
	s21 =	sadd.s32 $0x7800, s22;
	[dreg:$0x9] =	wrdreg s20  }
0xf: {  	s5 =	simm.s32 $0x5;
	s23 =	sadd.s32 $0xA000, s22;
	[dreg:$0xa] =	wrdreg s21  }
0x10: {  	s9 =	simm.s32 $0x200;
	s24 =	sadd.s32 $0xC800, s22;
	[dreg:$0xb] =	wrdreg s23  }
0x11: {  	s2 =	sshrl.u32 s2, $0x3;
	s25 =	sadd.s32 $0xF000, s22;
	[dreg:$0xc] =	wrdreg s24  }
0x12: {  	s26 =	sadd.s32 $0x11800, s22;
	s0 =	sadd.s32 s2, s0;
	[dreg:$0xd] =	wrdreg s25  }
.Ltmp0:
0x13: {  	s2 =	ssub.s32 s16, s17;
	[dreg:$0xe] =	wrdreg s26;
	(pc) =	sbr.rel .LBB2_1-.Ltmp0, $4  }
0x14: {  	s19 =	simm.s32 $0x9;
	s20 =	simm.s32 $0x1000;
	s21 =	simm.s32 $0x50  }
0x15: {  	s23 =	simm.s32 $0x4800;
	s24 =	simm.s32 $0x1;
	s0 =	sadd.s32 $0x21800, s0  }
0x16: {  	s26 =	simm.s32 $0x7000;
	s18 =	smax.u32 s2, $0x1;
	[dreg:$0x6] =	wrdreg s0  }
0x17: {  	v0 =	vimm.f32 $0.0e+00;
	s2 =	simm.s32 $0x1100;
	[dreg:$0x7] =	wrdreg s18;
	s18 =	simm.s32 $0x2000  }
.LBB2_8:
0x18: {  	s0 =	stileid.u32;
	[bflag:$0x0] =	sbarrier.arrive $0xFFFF  }
0x19: {  	s0 =	sshll.u32 s0, $0x6;
	s22 =	rddreg [dreg:$0x5]  }
0x1a: {  	s16 =	rddreg [dreg:$0x6];
	s0 =	sor.u32 $0x1C09, s0;
	s8 =	sshrl.u32 s22, $0x3  }
0x1b: {  	[hbm:s16], [sflag:s0] =	dma.local [spmem:s8], $0x2800  }
0x1c: {  	_ =	swait.ge [sflag:s19], $0x2800  }
0x1d: {  	s17 =	rddreg [dreg:$0xf]  }
0x1e: {  	s25 =	rddreg [dreg:$0x7];
	s8 =	sadd.s32 $0x1, s17  }
0x1f: {  	p0 =	sne.s32 s8, s25  }
.Ltmp1:
0x20: {  	_ = 	snop;
	(pc) =	sbr.rel @!p0 .LBB2_9-.Ltmp1, $3  }
0x21: {  	_ =	sdelay $0x1  }
0x22: {  	[sflag:s19] =	ssyncset.done $0x0  }
0x23: {  	[sflag:s19] =	ssyncadd.s32 $0xFFFFD800  }
.LBB2_1:
0x24: {  	s25 =	simm.s32 $0x0  }
0x25: {  	s0 =	sand.u32 $0xFE00, s25  }
0x26: {  	[dreg:$0xf] =	wrdreg s8;
	s8 =	sand.u32 $0x70, s25;
	s16 =	sshrl.u32 s0, $0x2  }
0x27: {  	s0 =	simm.s32 $0x40;
	s16 =	sor.u32 s8, s16;
	s8 =	simm.s32 $0x0  }
.LBB2_2:
0x28: {  	p0 =	sne.s32 s0, $0x9FC0  }
0x29: {  	[tilespmem:s16+$0x2000] =	vst v0;
	s8 =	sadd.s32 $0x10, s8;
	s16 =	smov.u32 s0;
	s0 =	sadd.s32 $0x40, s0  }
.Ltmp2:
0x2a: {  	(pc) =	sbr.rel @p0 .LBB2_2-.Ltmp2, $4  }
0x2b: {  	_ = 	snop  }
0x2c: {  	s16 =	sand.u32 $0xFE00, s16  }
0x2d: {  	s17 =	sand.u32 $0x70, s8;
	s16 =	sshrl.u32 s16, $0x2  }
0x2e: {  	s16 =	sor.u32 s17, s16  }
0x2f: {  	[tilespmem:s16+$0x2000] =	vst v0  }
0x30: {  	[spmem:s22] =	stream.linear.scatter [tilespmem:s18], [sflag:$0x9], $0x2800, $0x38;
	v63 =	vld [tilespmem:$0x0]  }
0x31: {  	_ =	swait.ge [sflag:s19], $0x2800  }
0x32: {  	[sflag:s19] =	ssyncset.done $0x0  }
0x33: {  	s0 =	rddreg [dreg:$0x8];
	[sflag:s19] =	ssyncadd.s32 $0xFFFFD800  }
0x34: {  	[spmem:s0] =	stream.linear.scatter [tilespmem:s18], [sflag:$0x9], $0x2800, $0x38;
	v63 =	vld [tilespmem:$0x0]  }
0x35: {  	_ =	swait.ge [sflag:s19], $0x2800  }
0x36: {  	[sflag:s19] =	ssyncset.done $0x0  }
0x37: {  	s25 =	rddreg [dreg:$0x9];
	[sflag:s19] =	ssyncadd.s32 $0xFFFFD800  }
0x38: {  	[spmem:s25] =	stream.linear.scatter [tilespmem:s18], [sflag:$0x9], $0x2800, $0x38;
	v63 =	vld [tilespmem:$0x0]  }
0x39: {  	_ =	swait.ge [sflag:s19], $0x2800  }
0x3a: {  	[sflag:s19] =	ssyncset.done $0x0  }
0x3b: {  	s8 =	rddreg [dreg:$0xa];
	[sflag:s19] =	ssyncadd.s32 $0xFFFFD800  }
0x3c: {  	[spmem:s8] =	stream.linear.scatter [tilespmem:s18], [sflag:$0x9], $0x2800, $0x38;
	v63 =	vld [tilespmem:$0x0]  }
0x3d: {  	_ =	swait.ge [sflag:s19], $0x2800  }
0x3e: {  	[sflag:s19] =	ssyncset.done $0x0  }
0x3f: {  	s16 =	rddreg [dreg:$0xb];
	[sflag:s19] =	ssyncadd.s32 $0xFFFFD800  }
0x40: {  	[spmem:s16] =	stream.linear.scatter [tilespmem:s18], [sflag:$0x9], $0x2800, $0x38;
	v63 =	vld [tilespmem:$0x0]  }
0x41: {  	_ =	swait.ge [sflag:s19], $0x2800  }
0x42: {  	[sflag:s19] =	ssyncset.done $0x0  }
0x43: {  	s17 =	rddreg [dreg:$0xc];
	[sflag:s19] =	ssyncadd.s32 $0xFFFFD800  }
0x44: {  	[spmem:s17] =	stream.linear.scatter [tilespmem:s18], [sflag:$0x9], $0x2800, $0x38;
	v63 =	vld [tilespmem:$0x0]  }
0x45: {  	_ =	swait.ge [sflag:s19], $0x2800  }
0x46: {  	[sflag:s19] =	ssyncset.done $0x0  }
0x47: {  	s22 =	rddreg [dreg:$0xd];
	[sflag:s19] =	ssyncadd.s32 $0xFFFFD800  }
0x48: {  	[spmem:s22] =	stream.linear.scatter [tilespmem:s18], [sflag:$0x9], $0x2800, $0x38;
	v63 =	vld [tilespmem:$0x0]  }
0x49: {  	_ =	swait.ge [sflag:s19], $0x2800  }
0x4a: {  	[sflag:s19] =	ssyncset.done $0x0  }
0x4b: {  	s25 =	rddreg [dreg:$0xe];
	[sflag:s19] =	ssyncadd.s32 $0xFFFFD800  }
0x4c: {  	[spmem:s25] =	stream.linear.scatter [tilespmem:s18], [sflag:$0x9], $0x2800, $0x38;
	v63 =	vld [tilespmem:$0x0]  }
.Ltmp3:
0x4d: {  	_ =	swait.ge [sflag:s19], $0x2800;
	(pc) =	sbr.rel .LBB2_4-.Ltmp3, $4  }
0x4e: {  	[sflag:s19] =	ssyncset.done $0x0  }
0x4f: {  	[sflag:s19] =	ssyncadd.s32 $0xFFFFD800  }
0x50: {  	[bflag:$0x0] =	sbarrier.arrive $0xFFFF  }
0x51: {  	s8 =	simm.s32 $0x0;
	s17 =	simm.s32 $0x0  }
.LBB2_7:
0x52: {  	_ =	swait.ge [sflag:s10], $0x2800  }
0x53: {  	[sflag:s10] =	ssyncset.done $0x0  }
0x54: {  	[sflag:s10] =	ssyncadd.s32 $0xFFFFD800  }
0x55: {  	[spmem:s4] =	stream.indirect.scatter.add.f32 [tilespmem:s31], [sflag:$0x8], $0x80, s22, s21, $0xb8;
	v63 =	vld [tilespmem:$0x0]  }
0x56: {  	_ =	swait.ge [sflag:s5], $0x2800  }
0x57: {  	[sflag:s5] =	ssyncset.done $0x0  }
0x58: {  	[sflag:s5] =	ssyncadd.s32 $0xFFFFD800  }
0x59: {  	_ =	swait.ge [sflag:s12], $0x2800  }
0x5a: {  	[sflag:s12] =	ssyncset.done $0x0  }
0x5b: {  	s8 =	sadd.s32 $0x1, s8;
	[sflag:s12] =	ssyncadd.s32 $0xFFFFD800  }
0x5c: {  	p0 =	sne.s32 s8, $0x8;
	_ =	swait.ge [sflag:s14], $0x2800  }
.Ltmp4:
0x5d: {  	[sflag:s14] =	ssyncset.done $0x0;
	(pc) =	sbr.rel @!p0 .LBB2_8-.Ltmp4, $4  }
0x5e: {  	[sflag:s14] =	ssyncadd.s32 $0xFFFFD800  }
0x5f: {  	_ =	swait.ge [sflag:s15], $0x2800  }
0x60: {  	[sflag:s15] =	ssyncset.done $0x0  }
0x61: {  	[sflag:s15] =	ssyncadd.s32 $0xFFFFD800  }
.LBB2_4:
0x62: {  	s0 =	sshll.u32 s8, $0x9  }
0x63: {  	s16 =	rddreg [dreg:$0x0];
	s0 =	sadd.s32 s7, s0  }
0x64: {  	s16 =	sadd.s32 s16, s0  }
0x65: {  	[tilespmem:s17], [sflag:$0x9] =	stream.linear.gather [hbm4b:s16+s17], $0x1000, $0x38;
	v63 =	vld [tilespmem:$0x0]  }
0x66: {  	_ =	swait.ge [sflag:s19], $0x1000  }
0x67: {  	[sflag:s19] =	ssyncset.done $0x0  }
0x68: {  	s0 =	sadd.s32 s6, s0;
	[sflag:s19] =	ssyncadd.s32 $0xFFFFF000  }
0x69: {  	[tilespmem:s20], [sflag:$0x9] =	stream.linear.gather [hbm4b:s0+s17], $0x1000, $0x38;
	v63 =	vld [tilespmem:$0x0]  }
0x6a: {  	_ =	swait.ge [sflag:s19], $0x1000  }
0x6b: {  	[sflag:s19] =	ssyncset.done $0x0  }
0x6c: {  	[sflag:s19] =	ssyncadd.s32 $0xFFFFF000  }
0x6d: {  	[tilespmem:s18], [sflag:$0x1] =	stream.indirect.gather [hbm4b:s3+s21], $0x80, s17, s21, $0xb8;
	v63 =	vld [tilespmem:$0x0]  }
0x6e: {  	s22 =	simm.s32 $0x80  }
0x6f: {  	[tilespmem:s23], [sflag:$0x2] =	stream.indirect.gather [hbm4b:s3+s21], $0x80, s22, s21, $0xb8;
	v63 =	vld [tilespmem:$0x0]  }
0x70: {  	_ =	swait.ge [sflag:s24], $0x2800  }
0x71: {  	[sflag:s24] =	ssyncset.done $0x0  }
0x72: {  	[sflag:s24] =	ssyncadd.s32 $0xFFFFD800  }
0x73: {  	[spmem:s4] =	stream.indirect.scatter.add.f32 [tilespmem:s18], [sflag:$0x5], $0x80, s20, s21, $0xb8;
	v63 =	vld [tilespmem:$0x0]  }
0x74: {  	s25 =	simm.s32 $0x100  }
0x75: {  	[tilespmem:s26], [sflag:$0x3] =	stream.indirect.gather [hbm4b:s3+s21], $0x80, s25, s21, $0xb8;
	v63 =	vld [tilespmem:$0x0]  }
0x76: {  	_ =	swait.ge [sflag:s28], $0x2800  }
0x77: {  	[sflag:s28] =	ssyncset.done $0x0  }
0x78: {  	[sflag:s28] =	ssyncadd.s32 $0xFFFFD800  }
0x79: {  	[spmem:s4] =	stream.indirect.scatter.add.f32 [tilespmem:s23], [sflag:$0x6], $0x80, s29, s21, $0xb8;
	v63 =	vld [tilespmem:$0x0]  }
0x7a: {  	_ = 	snop  }
0x7b: {  	[tilespmem:s31], [sflag:$0x4] =	stream.indirect.gather [hbm4b:s3+s21], $0x80, s30, s21, $0xb8;
	v63 =	vld [tilespmem:$0x0]  }
0x7c: {  	_ =	swait.ge [sflag:s1], $0x2800  }
0x7d: {  	[sflag:s1] =	ssyncset.done $0x0  }
0x7e: {  	[sflag:s1] =	ssyncadd.s32 $0xFFFFD800  }
0x7f: {  	[spmem:s4] =	stream.indirect.scatter.add.f32 [tilespmem:s26], [sflag:$0x7], $0x80, s2, s21, $0xb8;
	v63 =	vld [tilespmem:$0x0]  }
0x80: {  	_ =	swait.ge [sflag:s5], $0x2800  }
0x81: {  	[sflag:s5] =	ssyncset.done $0x0  }
0x82: {  	[sflag:s5] =	ssyncadd.s32 $0xFFFFD800  }
0x83: {  	[tilespmem:s18], [sflag:$0x1] =	stream.indirect.gather [hbm4b:s3+s21], $0x80, s9, s21, $0xb8;
	v63 =	vld [tilespmem:$0x0]  }
0x84: {  	_ =	swait.ge [sflag:s10], $0x2800  }
0x85: {  	[sflag:s10] =	ssyncset.done $0x0  }
0x86: {  	[sflag:s10] =	ssyncadd.s32 $0xFFFFD800  }
0x87: {  	[spmem:s4] =	stream.indirect.scatter.add.f32 [tilespmem:s31], [sflag:$0x8], $0x80, s11, s21, $0xb8;
	v63 =	vld [tilespmem:$0x0]  }
0x88: {  	_ =	swait.ge [sflag:s12], $0x2800  }
0x89: {  	[sflag:s12] =	ssyncset.done $0x0  }
0x8a: {  	s16 =	simm.s32 $0x0;
	[sflag:s12] =	ssyncadd.s32 $0xFFFFD800  }
0x8b: {  	[tilespmem:s23], [sflag:$0x2] =	stream.indirect.gather [hbm4b:s3+s21], $0x80, s13, s21, $0xb8;
	v63 =	vld [tilespmem:$0x0]  }
.LBB2_5:
0x8c: {  	_ =	swait.ge [sflag:s24], $0x2800  }
0x8d: {  	s0 =	sshra.s32 s16, $0x2;
	[sflag:s24] =	ssyncset.done $0x0  }
0x8e: {  	s22 =	sadd.s32 $0x1200, s0;
	[sflag:s24] =	ssyncadd.s32 $0xFFFFD800  }
0x8f: {  	[spmem:s4] =	stream.indirect.scatter.add.f32 [tilespmem:s18], [sflag:$0x5], $0x80, s22, s21, $0xb8;
	v63 =	vld [tilespmem:$0x0]  }
0x90: {  	_ =	swait.ge [sflag:s14], $0x2800  }
0x91: {  	[sflag:s14] =	ssyncset.done $0x0  }
0x92: {  	s25 =	sadd.s32 $0x300, s0;
	[sflag:s14] =	ssyncadd.s32 $0xFFFFD800  }
0x93: {  	[tilespmem:s26], [sflag:$0x3] =	stream.indirect.gather [hbm4b:s3+s21], $0x80, s25, s21, $0xb8;
	v63 =	vld [tilespmem:$0x0]  }
0x94: {  	_ =	swait.ge [sflag:s28], $0x2800  }
0x95: {  	[sflag:s28] =	ssyncset.done $0x0  }
0x96: {  	s25 =	sadd.s32 $0x1280, s0;
	[sflag:s28] =	ssyncadd.s32 $0xFFFFD800  }
0x97: {  	[spmem:s4] =	stream.indirect.scatter.add.f32 [tilespmem:s23], [sflag:$0x6], $0x80, s25, s21, $0xb8;
	v63 =	vld [tilespmem:$0x0]  }
0x98: {  	_ =	swait.ge [sflag:s15], $0x2800  }
0x99: {  	[sflag:s15] =	ssyncset.done $0x0  }
0x9a: {  	p0 =	seq.s32 s16, $0x3000;
	s25 =	sadd.s32 $0x380, s0;
	[sflag:s15] =	ssyncadd.s32 $0xFFFFD800  }
0x9b: {  	[tilespmem:s31], [sflag:$0x4] =	stream.indirect.gather [hbm4b:s3+s21], $0x80, s25, s21, $0xb8;
	v63 =	vld [tilespmem:$0x0]  }
.Ltmp5:
0x9c: {  	_ = 	snop;
	(pc) =	sbr.rel @p0 .LBB2_7-.Ltmp5, $4  }
0x9d: {  	_ =	swait.ge [sflag:s1], $0x2800  }
0x9e: {  	[sflag:s1] =	ssyncset.done $0x0  }
0x9f: {  	s22 =	sadd.s32 $0x1380, s0;
	s25 =	sadd.s32 $0x1300, s0;
	[sflag:s1] =	ssyncadd.s32 $0xFFFFD800  }
0xa0: {  	[spmem:s4] =	stream.indirect.scatter.add.f32 [tilespmem:s26], [sflag:$0x7], $0x80, s25, s21, $0xb8;
	v63 =	vld [tilespmem:$0x0]  }
0xa1: {  	_ =	swait.ge [sflag:s5], $0x2800  }
0xa2: {  	[sflag:s5] =	ssyncset.done $0x0  }
0xa3: {  	s25 =	sadd.s32 $0x400, s0;
	[sflag:s5] =	ssyncadd.s32 $0xFFFFD800  }
0xa4: {  	[tilespmem:s18], [sflag:$0x1] =	stream.indirect.gather [hbm4b:s3+s21], $0x80, s25, s21, $0xb8;
	v63 =	vld [tilespmem:$0x0]  }
0xa5: {  	_ =	swait.ge [sflag:s10], $0x2800  }
0xa6: {  	[sflag:s10] =	ssyncset.done $0x0  }
0xa7: {  	[sflag:s10] =	ssyncadd.s32 $0xFFFFD800  }
0xa8: {  	[spmem:s4] =	stream.indirect.scatter.add.f32 [tilespmem:s31], [sflag:$0x8], $0x80, s22, s21, $0xb8;
	v63 =	vld [tilespmem:$0x0]  }
.Ltmp6:
0xa9: {  	_ = 	snop;
	(pc) =	sbr.rel .LBB2_5-.Ltmp6, $4  }
0xaa: {  	_ =	swait.ge [sflag:s12], $0x2800  }
0xab: {  	[sflag:s12] =	ssyncset.done $0x0  }
0xac: {  	s16 =	sadd.s32 $0x800, s16;
	s25 =	sadd.s32 $0x480, s0;
	[sflag:s12] =	ssyncadd.s32 $0xFFFFD800  }
0xad: {  	[tilespmem:s23], [sflag:$0x2] =	stream.indirect.gather [hbm4b:s3+s21], $0x80, s25, s21, $0xb8;
	v63 =	vld [tilespmem:$0x0]  }
.LBB2_9:
0xae: {  	_ =	sfence.sel $0x180000  }
0xaf: {  	[bflag:$0x0] =	sbarrier.arrive $0xFFFF  }
0xb0: {  	_ =	strace $0x90000047  }
0xb1: {  	s0 =	stileid.u32;
	[bflag:$0x2] =	sbarrier.arrive $0xFFFF  }
0xb2: {  	p0 =	sne.s32 s0, $0x0;
	s0 =	rddreg [dreg:$0x4]  }
0xb3: {  	s0 =	sadd.s32 @!p0 $0x100000, s0  }
0xb4: {  	[sflag:s0] =	ssyncadd.tile.s32 @!p0 $0x1;
	_ =	shalt  }
.Lfunc_end2:
_tile_overlayer_lowered:
.L_overlay_start_2:
0xb5: {  	(tag) =	ssettag $0x2  }
0xb6: {  	s0 =	rddreg [dreg:$0x0];
	s2 =	stileid.u32  }
0xb7: {  	s1 =	rddreg [dreg:$0x1];
	p0 =	sne.s32 s2, $0x0  }
0xb8: {  	s3 =	rddreg [dreg:$0x2];
	[bflag:$0x3] =	sbarrier.arrive $0xFFFF;
	s2 =	simm.s32 @!p0 $0x1C09  }
0xb9: {  	[timem:s3], [sflag:s2] =	dma.local @!p0 [hbm:s0], s1  }
0xba: {  	s0 =	simm.s32 @!p0 $0x9  }
0xbb: {  	_ =	swait.ge @!p0 [sflag:s0], s1  }
0xbc: {  	s1 =	ssub.s32 @!p0 $0x0, s1;
	[sflag:s0] =	ssyncset.done @!p0 $0x0  }
0xbd: {  	[sflag:s0] =	ssyncadd.s32 @!p0 s1  }
0xbe: {  	[bflag:$0x3] =	sbarrier.arrive $0xFFFF  }
0xbf: {  	_ =	shalt  }

</sc_bundles>
